<compile_context>
chip_gen: v7x
topology: tpu7x:2x2x1
jax: 0.10.2.dev20260603
libtpu: 0.0.44.dev20260713+nightly
codegen_flags: <defaults>
</compile_context>

<pallas_src>
import functools

import jax
import jax.numpy as jnp
from jax import lax
from jax.experimental import pallas as pl
from jax.experimental.pallas import tpu as pltpu
from jax.experimental.pallas import tpu_sc as plsc

N = 10000
E = 320000
D_IN = 128
D_HID = 128
D_OUT = 64

NC = 2
NS = 16
NW = NC * NS
EPW = E // NW
C = 128
NCH = 80
EPWP = NCH * C
SB = 40
NSB = NCH // SB
NP = 10240
RPT = NP // NS

_MESH = plsc.VectorSubcoreMesh(core_axis_name="c", subcore_axis_name="s")


def _make_propagate(D, untiled=False, sb=SB):
    params = (pltpu.CompilerParams(use_tc_tiling_on_sc=False)
              if untiled else None)
    nsb = NCH // sb

    @functools.partial(
        pl.kernel,
        out_type=jax.ShapeDtypeStruct((NC, NP, D), jnp.float32),
        mesh=_MESH,
        compiler_params=params,
        scratch_types=[
            pltpu.VMEM((sb, C), jnp.int32),
            pltpu.VMEM((sb, C), jnp.int32),
            pltpu.VMEM((C, D), jnp.float32),
            pltpu.VMEM((C, D), jnp.float32),
            pltpu.VMEM_SHARED((NP, D), jnp.float32),
            pltpu.SemaphoreType.DMA,
            pltpu.SemaphoreType.DMA,
        ],
    )
    def propagate(hs, src3, dst3, out, src_v, dst_v,
                  buf0, buf1, acc, sem0, sem1):
        cid = lax.axis_index("c")
        sid = lax.axis_index("s")
        wid = cid * NS + sid
        rb = sid * RPT

        def initz(i, carry):
            def initcol(k, carry2):
                buf0[i, pl.ds(k * 16, 16)] = jnp.zeros((16,), jnp.float32)
                return carry2
            return lax.fori_loop(0, D // 16, initcol, carry)

        lax.fori_loop(0, C, initz, 0)

        def initacc(b, carry):
            pltpu.sync_copy(buf0, acc.at[pl.ds(rb + b * C, C)])
            return carry

        lax.fori_loop(0, RPT // C, initacc, 0)
        plsc.subcore_barrier()

        def superblock(s, carry):
            pltpu.sync_copy(src3.at[wid, pl.ds(s * sb, sb)], src_v)
            pltpu.sync_copy(dst3.at[wid, pl.ds(s * sb, sb)], dst_v)
            pltpu.async_copy(hs.at[src_v.at[0]], buf0, sem0)
            pltpu.async_copy(hs.at[src_v.at[1]], buf1, sem1)

            def step(t, carry2):
                k = 2 * t
                pltpu.make_async_copy(hs.at[src_v.at[k]], buf0, sem0).wait()
                pltpu.sync_copy(buf0, acc.at[dst_v.at[k]], add=True)

                @pl.when(k + 2 < sb)
                def _():
                    pltpu.async_copy(hs.at[src_v.at[k + 2]], buf0, sem0)

                pltpu.make_async_copy(hs.at[src_v.at[k + 1]], buf1, sem1).wait()
                pltpu.sync_copy(buf1, acc.at[dst_v.at[k + 1]], add=True)

                @pl.when(k + 3 < sb)
                def _():
                    pltpu.async_copy(hs.at[src_v.at[k + 3]], buf1, sem1)

                return carry2

            return lax.fori_loop(0, sb // 2, step, carry)

        lax.fori_loop(0, nsb, superblock, 0)
        plsc.subcore_barrier()
        pltpu.sync_copy(acc.at[pl.ds(rb, RPT)], out.at[cid, pl.ds(rb, RPT)])

    return propagate


DW = 16


@functools.partial(
    pl.kernel,
    out_type=jax.ShapeDtypeStruct((NC, NP, DW), jnp.float32),
    mesh=_MESH,
    compiler_params=pltpu.CompilerParams(use_tc_tiling_on_sc=False),
    scratch_types=[
        pltpu.VMEM((NCH, C), jnp.int32),
        pltpu.VMEM((C, DW), jnp.float32),
        pltpu.VMEM((64, DW), jnp.float32),
        pltpu.VMEM_SHARED((NP, DW), jnp.float32),
        pltpu.SemaphoreType.DMA,
    ],
)
def _degree_kernel(dst3, out, dst_v, ones_v, zbuf, acc, sem):
    cid = lax.axis_index("c")
    sid = lax.axis_index("s")
    wid = cid * NS + sid
    rb = sid * RPT

    def initz(i, carry):
        zbuf[i, pl.ds(0, 16)] = jnp.zeros((16,), jnp.float32)
        return carry

    lax.fori_loop(0, 64, initz, 0)

    def initacc(b, carry):
        pltpu.sync_copy(zbuf, acc.at[pl.ds(rb + b * 64, 64)])
        return carry

    lax.fori_loop(0, RPT // 64, initacc, 0)

    def initones(i, carry):
        ones_v[i, pl.ds(0, 16)] = jnp.full((16,), 1.0, jnp.float32)
        return carry

    lax.fori_loop(0, C, initones, 0)
    plsc.subcore_barrier()

    pltpu.sync_copy(dst3.at[wid], dst_v)

    def fire(k, carry):
        pltpu.async_copy(ones_v, acc.at[dst_v.at[k]], sem, add=True)
        return carry

    lax.fori_loop(0, NCH, fire, 0)

    def drain(k, carry):
        pltpu.make_async_copy(ones_v, acc.at[dst_v.at[k]], sem).wait()
        return carry

    lax.fori_loop(0, NCH, drain, 0)
    plsc.subcore_barrier()
    pltpu.sync_copy(acc.at[pl.ds(rb, RPT)], out.at[cid, pl.ds(rb, RPT)])


_BR = 2000


def _dinv_block(dp_ref):
    deg = dp_ref[0, :, 0:1] + dp_ref[1, :, 0:1] + 1.0
    return lax.rsqrt(deg)


def _tc_matmul_scale(degp, x, W):
    d_out = W.shape[1]

    def body(dp_ref, x_ref, w_ref, o_ref, dinv_ref):
        dinv = _dinv_block(dp_ref)
        dinv_ref[...] = jnp.broadcast_to(dinv, (dinv.shape[0], 8))
        o_ref[...] = dinv * jnp.dot(
            x_ref[...], w_ref[...], preferred_element_type=jnp.float32)

    return pl.pallas_call(
        body,
        grid=(N // _BR,),
        in_specs=[
            pl.BlockSpec((2, _BR, DW), lambda i: (0, i, 0)),
            pl.BlockSpec((_BR, x.shape[1]), lambda i: (i, 0)),
            pl.BlockSpec(W.shape, lambda i: (0, 0)),
        ],
        out_specs=[
            pl.BlockSpec((_BR, d_out), lambda i: (i, 0)),
            pl.BlockSpec((_BR, 8), lambda i: (i, 0)),
        ],
        out_shape=[
            jax.ShapeDtypeStruct((N, d_out), jnp.float32),
            jax.ShapeDtypeStruct((N, 8), jnp.float32),
        ],
    )(degp, x, W)


def _tc_mid(dinv8, p1, hs1, b1, W2):

    def body(dv_ref, p_ref, hs_ref, b_ref, w_ref, o_ref):
        dinv = dv_ref[:, 0:1]
        t = (p_ref[0] + p_ref[1] + hs_ref[...]) * dinv + b_ref[...]
        h = jnp.maximum(t, 0.0)
        o_ref[...] = dinv * jnp.dot(h, w_ref[...],
                                    preferred_element_type=jnp.float32)

    return pl.pallas_call(
        body,
        grid=(N // _BR,),
        in_specs=[
            pl.BlockSpec((_BR, 8), lambda i: (i, 0)),
            pl.BlockSpec((2, _BR, D_HID), lambda i: (0, i, 0)),
            pl.BlockSpec((_BR, D_HID), lambda i: (i, 0)),
            pl.BlockSpec((1, D_HID), lambda i: (0, 0)),
            pl.BlockSpec((D_HID, D_OUT), lambda i: (0, 0)),
        ],
        out_specs=pl.BlockSpec((_BR, D_OUT), lambda i: (i, 0)),
        out_shape=jax.ShapeDtypeStruct((N, D_OUT), jnp.float32),
    )(dinv8, p1, hs1, b1, W2)


def _tc_out(dinv8, p2, hs2, b2):

    def body(dv_ref, p_ref, hs_ref, b_ref, o_ref):
        dinv = dv_ref[:, 0:1]
        o = (p_ref[0] + p_ref[1] + hs_ref[...]) * dinv + b_ref[...]
        m = jnp.max(o, axis=1, keepdims=True)
        e = jnp.exp(o - m)
        lse = jnp.log(jnp.sum(e, axis=1, keepdims=True)) + m
        o_ref[...] = o - lse

    return pl.pallas_call(
        body,
        grid=(N // _BR,),
        in_specs=[
            pl.BlockSpec((_BR, 8), lambda i: (i, 0)),
            pl.BlockSpec((2, _BR, D_OUT), lambda i: (0, i, 0)),
            pl.BlockSpec((_BR, D_OUT), lambda i: (i, 0)),
            pl.BlockSpec((1, D_OUT), lambda i: (0, 0)),
        ],
        out_specs=pl.BlockSpec((_BR, D_OUT), lambda i: (i, 0)),
        out_shape=jax.ShapeDtypeStruct((N, D_OUT), jnp.float32),
    )(dinv8, p2, hs2, b2)


_propagate_128 = _make_propagate(D_HID)
_propagate_64 = _make_propagate(D_OUT, untiled=True, sb=NCH)


@jax.jit
def kernel(x, edge_index, W1, b1, W2, b2):
    npad = EPWP - EPW
    pad_src = jnp.broadcast_to((jnp.arange(npad, dtype=jnp.int32) * 41) % N,
                               (NW, npad))
    pad_dst = jnp.broadcast_to(N + (jnp.arange(npad, dtype=jnp.int32)
                                    % (NP - N)), (NW, npad))
    src3 = jnp.concatenate(
        [edge_index[0].astype(jnp.int32).reshape(NW, EPW), pad_src],
        axis=1).reshape(NW, NCH, C)
    dst3 = jnp.concatenate(
        [edge_index[1].astype(jnp.int32).reshape(NW, EPW), pad_dst],
        axis=1).reshape(NW, NCH, C)
    degp = _degree_kernel(dst3)
    hs1, dinv8 = _tc_matmul_scale(degp, x, W1)
    p1 = _propagate_128(hs1, src3, dst3)
    hs2 = _tc_mid(dinv8, p1, hs1, b1.reshape(1, D_HID), W2)
    p2 = _propagate_64(hs2, src3, dst3)
    return _tc_out(dinv8, p2, hs2, b2.reshape(1, D_OUT))

# --- scband reference (transcript-rebuilt; emitter-appended) ---
"""Pipeline reference for scband-ssp-6828998001545 (READ-ONLY COPY).

The authoritative reference and input builder live on the scoring server;
editing this copy changes nothing except your own understanding.
"""

import jax, jax.numpy as jnp
import numpy as np

N_NODES = 10000
N_EDGES = 320000
D_IN = 128
D_HID = 128
D_OUT = 64

def setup_inputs(seed: int = 0) -> dict:
    key = jax.random.key(seed)
    k1, k2, k3, k4, k5, k6 = jax.random.split(key, 6)
    x = jax.random.normal(k1, (N_NODES, D_IN), dtype=jnp.float32)
    edge_index = jax.random.randint(k2, (2, N_EDGES), 0, N_NODES, dtype=jnp.int64)
    # Glorot init for GCNConv weights, zeros for bias (matches PyG defaults)
    s1 = float(np.sqrt(6.0 / (D_IN + D_HID)))
    W1 = jax.random.uniform(k3, (D_IN, D_HID), dtype=jnp.float32, minval=-s1, maxval=s1)
    b1 = jnp.zeros((D_HID,), dtype=jnp.float32)
    s2 = float(np.sqrt(6.0 / (D_HID + D_OUT)))
    W2 = jax.random.uniform(k4, (D_HID, D_OUT), dtype=jnp.float32, minval=-s2, maxval=s2)
    b2 = jnp.zeros((D_OUT,), dtype=jnp.float32)
    return {"x": x, "edge_index": edge_index, "W1": W1, "b1": b1, "W2": W2, "b2": b2}

def _gcn_conv(x, edge_index, W, b):
    N = x.shape[0]
    # add self loops
    loop = jnp.arange(N, dtype=edge_index.dtype)
    src = jnp.concatenate([edge_index[0], loop])
    dst = jnp.concatenate([edge_index[1], loop])
    # linear transform
    h = x @ W
    # symmetric normalization: deg computed on dst with edge weight 1
    deg = jnp.zeros((N,), dtype=h.dtype).at[dst].add(1.0)
    deg_inv_sqrt = jnp.where(deg > 0, jax.lax.rsqrt(jnp.maximum(deg, 1e-12)), 0.0)
    norm = deg_inv_sqrt[src] * deg_inv_sqrt[dst]
    # gather messages from src, scale, scatter-add into dst
    msgs = norm[:, None] * jnp.take(h, src, axis=0)
    out = jnp.zeros((N, h.shape[1]), dtype=h.dtype).at[dst].add(msgs)
    return out + b

def reference(x, edge_index, W1, b1, W2, b2):
    # CRD: GCNConv -> ReLU -> dropout (identity in eval mode)
    h = _gcn_conv(x, edge_index, W1, b1)
    h = jax.nn.relu(h)
    # CLS: GCNConv -> log_softmax over classes
    out = _gcn_conv(h, edge_index, W2, b2)
    return jax.nn.log_softmax(out, axis=1)

if __name__ == "__main__":
    import jax
    _d = setup_inputs()
    print(jax.jit(kernel)(*tuple(_d.values())))

</pallas_src>

<mosaic_0001>
#map = affine_map<(d0, d1) -> (0, 0, 0)>
module attributes {stable_mosaic.version = 14 : i64} {
  func.func @_degree_kernel(%arg0: i32, %arg1: i32, %arg2: memref<32x80x128xi32, #tpu.memory_space<hbm>>, %arg3: memref<2x10240x16xf32, #tpu.memory_space<hbm>>, %arg4: memref<80x128xi32, #tpu.memory_space<vmem>>, %arg5: memref<128x16xf32, #tpu.memory_space<vmem>>, %arg6: memref<64x16xf32, #tpu.memory_space<vmem>>, %arg7: memref<10240x16xf32, #tpu.memory_space<vmem_shared>>, %arg8: memref<!tpu.dma_semaphore, #tpu.memory_space<semaphore_mem>>) attributes {dimension_semantics = [#tpu.dimension_semantics<core_parallel>, #tpu.dimension_semantics<subcore_parallel>], iteration_bounds = array<i64: 2, 16>, scalar_prefetch = 0 : i64, scratch_operands = 5 : i64, tpu.core_type = #tpu.core_type<sc_vector_subcore>, window_params = [{transform_indices = #map}, {transform_indices = #map}]} {
    %mul3A = arith.constant 16 : i32
    %mul3A_0 = arith.muli %arg0, %mul3A : i32
    %add3A = arith.addi %mul3A_0, %arg1 : i32
    %mul3A_1 = arith.constant 640 : i32
    %mul3A_2 = arith.muli %arg1, %mul3A_1 : i32
    %scan3A = arith.constant 0 : i32
    %scan3A_3 = arith.constant 0 : i32
    %scan3A_4 = arith.constant 64 : i32
    %scan3A_5 = arith.addi %scan3A_3, %scan3A_4 : i32
    %scan3A_6 = arith.constant 1 : i32
    scf.for %scan3A_33 = %scan3A_3 to %scan3A_5 step %scan3A_6  : i32 {
      %broadcast_in_dim3A = arith.constant 0.000000e+00 : f32
      %broadcast_in_dim3A_34 = vector.broadcast %broadcast_in_dim3A : f32 to vector<16xf32>
      %swap3A = arith.index_cast %scan3A_33 : i32 to index
      %swap3A_35 = arith.constant 0 : index
      %swap3A_36 = tpu.vector_load %arg6[%swap3A, %swap3A_35] {strides = array<i32>} : memref<64x16xf32, #tpu.memory_space<vmem>>, vector<1x16xf32>,
      %swap3A_37 = vector.shape_cast %swap3A_36 : vector<1x16xf32> to vector<16xf32>
      %swap3A_38 = vector.shape_cast %broadcast_in_dim3A_34 : vector<16xf32> to vector<1x16xf32>
      tpu.vector_store %arg6[%swap3A, %swap3A_35], %swap3A_38 {strides = array<i32>} : memref<64x16xf32, #tpu.memory_space<vmem>>, vector<1x16xf32>,
    }
    %scan3A_7 = arith.constant 64 : i32
    %scan3A_8 = arith.constant 0 : i32
    %scan3A_9 = arith.constant 0 : i32
    %scan3A_10 = arith.constant 10 : i32
    %scan3A_11 = arith.addi %scan3A_9, %scan3A_10 : i32
    %scan3A_12 = arith.constant 1 : i32
    scf.for %scan3A_33 = %scan3A_9 to %scan3A_11 step %scan3A_12  : i32 {
      %mul3A_34 = arith.constant 64 : i32
      %mul3A_35 = arith.muli %scan3A_33, %mul3A_34 : i32
      %add3A_36 = arith.addi %mul3A_2, %mul3A_35 : i32
      "tpu.region"() ({
        %run_scoped3A = tpu.sem_alloc : memref<!tpu.dma_semaphore, #tpu.memory_space<semaphore_mem>>
        %dma_start3A = arith.constant 0 : i32
        %dma_start3A_37 = tpu.memref_slice %arg7[%add3A_36, %dma_start3A] : memref<10240x16xf32, #tpu.memory_space<vmem_shared>> -> memref<64x16xf32, #tpu.memory_space<vmem_shared>>
        %dma_start3A_38 = arith.constant 0 : i32
        %dma_start3A_39 = tpu.memref_slice %arg7[%add3A_36, %dma_start3A_38] : memref<10240x16xf32, #tpu.memory_space<vmem_shared>> -> memref<64x16xf32, #tpu.memory_space<vmem_shared>>
        tpu.enqueue_dma source(%arg6 : memref<64x16xf32, #tpu.memory_space<vmem>>) target(%dma_start3A_39 : memref<64x16xf32, #tpu.memory_space<vmem_shared>>) target_semaphore(%run_scoped3A : memref<!tpu.dma_semaphore, #tpu.memory_space<semaphore_mem>>)
        %dma_wait3A = arith.constant 0 : i32
        %dma_wait3A_40 = tpu.memref_slice %arg7[%add3A_36, %dma_wait3A] : memref<10240x16xf32, #tpu.memory_space<vmem_shared>> -> memref<64x16xf32, #tpu.memory_space<vmem_shared>>
        %dma_wait3A_41 = arith.constant 0 : i32
        %dma_wait3A_42 = tpu.memref_slice %arg7[%add3A_36, %dma_wait3A_41] : memref<10240x16xf32, #tpu.memory_space<vmem_shared>> -> memref<64x16xf32, #tpu.memory_space<vmem_shared>>
        tpu.wait_dma2 semaphore(%run_scoped3A : memref<!tpu.dma_semaphore, #tpu.memory_space<semaphore_mem>>) src(%arg6 : memref<64x16xf32, #tpu.memory_space<vmem>>) dst(%dma_wait3A_42 : memref<64x16xf32, #tpu.memory_space<vmem_shared>>)
        tpu.yield
      }) : () -> ()
    }
    %scan3A_13 = arith.constant 10 : i32
    %scan3A_14 = arith.constant 0 : i32
    %scan3A_15 = arith.constant 0 : i32
    %scan3A_16 = arith.constant 128 : i32
    %scan3A_17 = arith.addi %scan3A_15, %scan3A_16 : i32
    %scan3A_18 = arith.constant 1 : i32
    scf.for %scan3A_33 = %scan3A_15 to %scan3A_17 step %scan3A_18  : i32 {
      %broadcast_in_dim3A = arith.constant 1.000000e+00 : f32
      %broadcast_in_dim3A_34 = vector.broadcast %broadcast_in_dim3A : f32 to vector<16xf32>
      %swap3A = arith.index_cast %scan3A_33 : i32 to index
      %swap3A_35 = arith.constant 0 : index
      %swap3A_36 = tpu.vector_load %arg5[%swap3A, %swap3A_35] {strides = array<i32>} : memref<128x16xf32, #tpu.memory_space<vmem>>, vector<1x16xf32>,
      %swap3A_37 = vector.shape_cast %swap3A_36 : vector<1x16xf32> to vector<16xf32>
      %swap3A_38 = vector.shape_cast %broadcast_in_dim3A_34 : vector<16xf32> to vector<1x16xf32>
      tpu.vector_store %arg5[%swap3A, %swap3A_35], %swap3A_38 {strides = array<i32>} : memref<128x16xf32, #tpu.memory_space<vmem>>, vector<1x16xf32>,
    }
    %scan3A_19 = arith.constant 128 : i32
    %barrier3A = arith.constant 0 : index
    tpu.barrier barrier_id(%barrier3A)
    "tpu.region"() ({
      %run_scoped3A = tpu.sem_alloc : memref<!tpu.dma_semaphore, #tpu.memory_space<semaphore_mem>>
      %dma_start3A = arith.constant 0 : i32
      %dma_start3A_33 = arith.constant 0 : i32
      %dma_start3A_34 = tpu.memref_slice %arg2[%add3A, %dma_start3A, %dma_start3A_33] : memref<32x80x128xi32, #tpu.memory_space<hbm>> -> memref<1x80x128xi32, #tpu.memory_space<hbm>>
      %dma_start3A_35 = tpu.memref_squeeze %dma_start3A_34 : memref<1x80x128xi32, #tpu.memory_space<hbm>> -> memref<80x128xi32, #tpu.memory_space<hbm>>
      %dma_start3A_36 = arith.constant 0 : i32
      %dma_start3A_37 = arith.constant 0 : i32
      %dma_start3A_38 = tpu.memref_slice %arg2[%add3A, %dma_start3A_36, %dma_start3A_37] : memref<32x80x128xi32, #tpu.memory_space<hbm>> -> memref<1x80x128xi32, #tpu.memory_space<hbm>>
      %dma_start3A_39 = tpu.memref_squeeze %dma_start3A_38 : memref<1x80x128xi32, #tpu.memory_space<hbm>> -> memref<80x128xi32, #tpu.memory_space<hbm>>
      tpu.enqueue_dma source(%dma_start3A_39 : memref<80x128xi32, #tpu.memory_space<hbm>>) target(%arg4 : memref<80x128xi32, #tpu.memory_space<vmem>>) target_semaphore(%run_scoped3A : memref<!tpu.dma_semaphore, #tpu.memory_space<semaphore_mem>>)
      %dma_wait3A = arith.constant 0 : i32
      %dma_wait3A_40 = arith.constant 0 : i32
      %dma_wait3A_41 = tpu.memref_slice %arg2[%add3A, %dma_wait3A, %dma_wait3A_40] : memref<32x80x128xi32, #tpu.memory_space<hbm>> -> memref<1x80x128xi32, #tpu.memory_space<hbm>>
      %dma_wait3A_42 = tpu.memref_squeeze %dma_wait3A_41 : memref<1x80x128xi32, #tpu.memory_space<hbm>> -> memref<80x128xi32, #tpu.memory_space<hbm>>
      %dma_wait3A_43 = arith.constant 0 : i32
      %dma_wait3A_44 = arith.constant 0 : i32
      %dma_wait3A_45 = tpu.memref_slice %arg2[%add3A, %dma_wait3A_43, %dma_wait3A_44] : memref<32x80x128xi32, #tpu.memory_space<hbm>> -> memref<1x80x128xi32, #tpu.memory_space<hbm>>
      %dma_wait3A_46 = tpu.memref_squeeze %dma_wait3A_45 : memref<1x80x128xi32, #tpu.memory_space<hbm>> -> memref<80x128xi32, #tpu.memory_space<hbm>>
      tpu.wait_dma2 semaphore(%run_scoped3A : memref<!tpu.dma_semaphore, #tpu.memory_space<semaphore_mem>>) src(%dma_wait3A_46 : memref<80x128xi32, #tpu.memory_space<hbm>>) dst(%arg4 : memref<80x128xi32, #tpu.memory_space<vmem>>)
      tpu.yield
    }) : () -> ()
    %scan3A_20 = arith.constant 0 : i32
    %scan3A_21 = arith.constant 0 : i32
    %scan3A_22 = arith.constant 80 : i32
    %scan3A_23 = arith.addi %scan3A_21, %scan3A_22 : i32
    %scan3A_24 = arith.constant 1 : i32
    scf.for %scan3A_33 = %scan3A_21 to %scan3A_23 step %scan3A_24  : i32 {
      %dma_start3A = arith.constant 0 : i32
      %dma_start3A_34 = tpu.memref_slice %arg4[%scan3A_33, %dma_start3A] : memref<80x128xi32, #tpu.memory_space<vmem>> -> memref<1x128xi32, #tpu.memory_space<vmem>>
      %dma_start3A_35 = tpu.memref_squeeze %dma_start3A_34 : memref<1x128xi32, #tpu.memory_space<vmem>> -> memref<128xi32, #tpu.memory_space<vmem>>
      %dma_start3A_36 = arith.constant 0 : i32
      %dma_start3A_37 = arith.constant 0 : i32
      %dma_start3A_38 = tpu.memref_slice %arg7[%dma_start3A_36, %dma_start3A_37] : memref<10240x16xf32, #tpu.memory_space<vmem_shared>> -> memref<10240x16xf32, #tpu.memory_space<vmem_shared>>
      tpu.enqueue_indirect_dma source(%arg5 : memref<128x16xf32, #tpu.memory_space<vmem>>) target(%dma_start3A_38 : memref<10240x16xf32, #tpu.memory_space<vmem_shared>>) offsets(%dma_start3A_35 : memref<128xi32, #tpu.memory_space<vmem>>) semaphore(%arg8 : memref<!tpu.dma_semaphore, #tpu.memory_space<semaphore_mem>>) {add = true}
    }
    %scan3A_25 = arith.constant 80 : i32
    %scan3A_26 = arith.constant 0 : i32
    %scan3A_27 = arith.constant 0 : i32
    %scan3A_28 = arith.constant 80 : i32
    %scan3A_29 = arith.addi %scan3A_27, %scan3A_28 : i32
    %scan3A_30 = arith.constant 1 : i32
    scf.for %scan3A_33 = %scan3A_27 to %scan3A_29 step %scan3A_30  : i32 {
      %dma_wait3A = arith.constant 0 : i32
      %dma_wait3A_34 = tpu.memref_slice %arg4[%scan3A_33, %dma_wait3A] : memref<80x128xi32, #tpu.memory_space<vmem>> -> memref<1x128xi32, #tpu.memory_space<vmem>>
      %dma_wait3A_35 = tpu.memref_squeeze %dma_wait3A_34 : memref<1x128xi32, #tpu.memory_space<vmem>> -> memref<128xi32, #tpu.memory_space<vmem>>
      %dma_wait3A_36 = arith.constant 0 : i32
      %dma_wait3A_37 = arith.constant 0 : i32
      %dma_wait3A_38 = tpu.memref_slice %arg7[%dma_wait3A_36, %dma_wait3A_37] : memref<10240x16xf32, #tpu.memory_space<vmem_shared>> -> memref<10240x16xf32, #tpu.memory_space<vmem_shared>>
      tpu.wait_indirect_dma semaphore(%arg8 : memref<!tpu.dma_semaphore, #tpu.memory_space<semaphore_mem>>) src(%arg5 : memref<128x16xf32, #tpu.memory_space<vmem>>) dst(%dma_wait3A_38 : memref<10240x16xf32, #tpu.memory_space<vmem_shared>>)
    }
    %scan3A_31 = arith.constant 80 : i32
    %barrier3A_32 = arith.constant 0 : index
    tpu.barrier barrier_id(%barrier3A_32)
    "tpu.region"() ({
      %run_scoped3A = tpu.sem_alloc : memref<!tpu.dma_semaphore, #tpu.memory_space<semaphore_mem>>
      %dma_start3A = arith.constant 0 : i32
      %dma_start3A_33 = tpu.memref_slice %arg3[%arg0, %mul3A_2, %dma_start3A] : memref<2x10240x16xf32, #tpu.memory_space<hbm>> -> memref<1x640x16xf32, #tpu.memory_space<hbm>>
      %dma_start3A_34 = tpu.memref_squeeze %dma_start3A_33 : memref<1x640x16xf32, #tpu.memory_space<hbm>> -> memref<640x16xf32, #tpu.memory_space<hbm>>
      %dma_start3A_35 = arith.constant 0 : i32
      %dma_start3A_36 = tpu.memref_slice %arg7[%mul3A_2, %dma_start3A_35] : memref<10240x16xf32, #tpu.memory_space<vmem_shared>> -> memref<640x16xf32, #tpu.memory_space<vmem_shared>>
      tpu.enqueue_dma source(%dma_start3A_36 : memref<640x16xf32, #tpu.memory_space<vmem_shared>>) target(%dma_start3A_34 : memref<640x16xf32, #tpu.memory_space<hbm>>) target_semaphore(%run_scoped3A : memref<!tpu.dma_semaphore, #tpu.memory_space<semaphore_mem>>)
      %dma_wait3A = arith.constant 0 : i32
      %dma_wait3A_37 = tpu.memref_slice %arg3[%arg0, %mul3A_2, %dma_wait3A] : memref<2x10240x16xf32, #tpu.memory_space<hbm>> -> memref<1x640x16xf32, #tpu.memory_space<hbm>>
      %dma_wait3A_38 = tpu.memref_squeeze %dma_wait3A_37 : memref<1x640x16xf32, #tpu.memory_space<hbm>> -> memref<640x16xf32, #tpu.memory_space<hbm>>
      %dma_wait3A_39 = arith.constant 0 : i32
      %dma_wait3A_40 = tpu.memref_slice %arg7[%mul3A_2, %dma_wait3A_39] : memref<10240x16xf32, #tpu.memory_space<vmem_shared>> -> memref<640x16xf32, #tpu.memory_space<vmem_shared>>
      tpu.wait_dma2 semaphore(%run_scoped3A : memref<!tpu.dma_semaphore, #tpu.memory_space<semaphore_mem>>) src(%dma_wait3A_40 : memref<640x16xf32, #tpu.memory_space<vmem_shared>>) dst(%dma_wait3A_38 : memref<640x16xf32, #tpu.memory_space<hbm>>)
      tpu.yield
    }) : () -> ()
    return
  }
}

#map = affine_map<(d0, d1) -> (0, 0)>
#map1 = affine_map<(d0, d1) -> (0, 0, 0)>
module attributes {stable_mosaic.version = 14 : i64} {
  func.func @propagate(%arg0: i32, %arg1: i32, %arg2: memref<10000x64xf32, #tpu.memory_space<hbm>>, %arg3: memref<32x80x128xi32, #tpu.memory_space<hbm>>, %arg4: memref<32x80x128xi32, #tpu.memory_space<hbm>>, %arg5: memref<2x10240x64xf32, #tpu.memory_space<hbm>>, %arg6: memref<80x128xi32, #tpu.memory_space<vmem>>, %arg7: memref<80x128xi32, #tpu.memory_space<vmem>>, %arg8: memref<128x64xf32, #tpu.memory_space<vmem>>, %arg9: memref<128x64xf32, #tpu.memory_space<vmem>>, %arg10: memref<10240x64xf32, #tpu.memory_space<vmem_shared>>, %arg11: memref<!tpu.dma_semaphore, #tpu.memory_space<semaphore_mem>>, %arg12: memref<!tpu.dma_semaphore, #tpu.memory_space<semaphore_mem>>) attributes {dimension_semantics = [#tpu.dimension_semantics<core_parallel>, #tpu.dimension_semantics<subcore_parallel>], iteration_bounds = array<i64: 2, 16>, scalar_prefetch = 0 : i64, scratch_operands = 7 : i64, tpu.core_type = #tpu.core_type<sc_vector_subcore>, window_params = [{transform_indices = #map}, {transform_indices = #map1}, {transform_indices = #map1}, {transform_indices = #map1}]} {
    %mul3A = arith.constant 16 : i32
    %mul3A_0 = arith.muli %arg0, %mul3A : i32
    %add3A = arith.addi %mul3A_0, %arg1 : i32
    %mul3A_1 = arith.constant 640 : i32
    %mul3A_2 = arith.muli %arg1, %mul3A_1 : i32
    %scan3A = arith.constant 0 : i32
    %scan3A_3 = arith.constant 0 : i32
    %scan3A_4 = arith.constant 128 : i32
    %scan3A_5 = arith.addi %scan3A_3, %scan3A_4 : i32
    %scan3A_6 = arith.constant 1 : i32
    scf.for %scan3A_40 = %scan3A_3 to %scan3A_5 step %scan3A_6  : i32 {
      %scan3A_41 = arith.constant 0 : i32
      %scan3A_42 = arith.constant 4 : i32
      %scan3A_43 = arith.addi %scan3A_41, %scan3A_42 : i32
      %scan3A_44 = arith.constant 1 : i32
      scf.for %scan3A_46 = %scan3A_41 to %scan3A_43 step %scan3A_44  : i32 {
        %broadcast_in_dim3A = arith.constant 0.000000e+00 : f32
        %broadcast_in_dim3A_47 = vector.broadcast %broadcast_in_dim3A : f32 to vector<16xf32>
        %mul3A_48 = arith.constant 16 : i32
        %mul3A_49 = arith.muli %scan3A_46, %mul3A_48 : i32
        %swap3A = arith.index_cast %scan3A_40 : i32 to index
        %swap3A_50 = arith.index_cast %mul3A_49 : i32 to index
        %swap3A_51 = tpu.vector_load %arg8[%swap3A, %swap3A_50] {strides = array<i32>} : memref<128x64xf32, #tpu.memory_space<vmem>>, vector<1x16xf32>,
        %swap3A_52 = vector.shape_cast %swap3A_51 : vector<1x16xf32> to vector<16xf32>
        %swap3A_53 = vector.shape_cast %broadcast_in_dim3A_47 : vector<16xf32> to vector<1x16xf32>
        tpu.vector_store %arg8[%swap3A, %swap3A_50], %swap3A_53 {strides = array<i32>} : memref<128x64xf32, #tpu.memory_space<vmem>>, vector<1x16xf32>,
      }
      %scan3A_45 = arith.constant 4 : i32
    }
    %scan3A_7 = arith.constant 128 : i32
    %scan3A_8 = arith.constant 0 : i32
    %scan3A_9 = arith.constant 0 : i32
    %scan3A_10 = arith.constant 5 : i32
    %scan3A_11 = arith.addi %scan3A_9, %scan3A_10 : i32
    %scan3A_12 = arith.constant 1 : i32
    scf.for %scan3A_40 = %scan3A_9 to %scan3A_11 step %scan3A_12  : i32 {
      %mul3A_41 = arith.constant 128 : i32
      %mul3A_42 = arith.muli %scan3A_40, %mul3A_41 : i32
      %add3A_43 = arith.addi %mul3A_2, %mul3A_42 : i32
      "tpu.region"() ({
        %run_scoped3A = tpu.sem_alloc : memref<!tpu.dma_semaphore, #tpu.memory_space<semaphore_mem>>
        %dma_start3A_44 = arith.constant 0 : i32
        %dma_start3A_45 = tpu.memref_slice %arg10[%add3A_43, %dma_start3A_44] : memref<10240x64xf32, #tpu.memory_space<vmem_shared>> -> memref<128x64xf32, #tpu.memory_space<vmem_shared>>
        %dma_start3A_46 = arith.constant 0 : i32
        %dma_start3A_47 = tpu.memref_slice %arg10[%add3A_43, %dma_start3A_46] : memref<10240x64xf32, #tpu.memory_space<vmem_shared>> -> memref<128x64xf32, #tpu.memory_space<vmem_shared>>
        tpu.enqueue_dma source(%arg8 : memref<128x64xf32, #tpu.memory_space<vmem>>) target(%dma_start3A_47 : memref<128x64xf32, #tpu.memory_space<vmem_shared>>) target_semaphore(%run_scoped3A : memref<!tpu.dma_semaphore, #tpu.memory_space<semaphore_mem>>)
        %dma_wait3A = arith.constant 0 : i32
        %dma_wait3A_48 = tpu.memref_slice %arg10[%add3A_43, %dma_wait3A] : memref<10240x64xf32, #tpu.memory_space<vmem_shared>> -> memref<128x64xf32, #tpu.memory_space<vmem_shared>>
        %dma_wait3A_49 = arith.constant 0 : i32
        %dma_wait3A_50 = tpu.memref_slice %arg10[%add3A_43, %dma_wait3A_49] : memref<10240x64xf32, #tpu.memory_space<vmem_shared>> -> memref<128x64xf32, #tpu.memory_space<vmem_shared>>
        tpu.wait_dma2 semaphore(%run_scoped3A : memref<!tpu.dma_semaphore, #tpu.memory_space<semaphore_mem>>) src(%arg8 : memref<128x64xf32, #tpu.memory_space<vmem>>) dst(%dma_wait3A_50 : memref<128x64xf32, #tpu.memory_space<vmem_shared>>)
        tpu.yield
      }) : () -> ()
    }
    %scan3A_13 = arith.constant 5 : i32
    %barrier3A = arith.constant 0 : index
    tpu.barrier barrier_id(%barrier3A)
    %scan3A_14 = arith.constant 0 : i32
    %scan3A_15 = arith.constant 0 : i32
    %mul3A_16 = arith.constant 80 : i32
    %mul3A_17 = arith.muli %scan3A_15, %mul3A_16 : i32
    "tpu.region"() ({
      %run_scoped3A = tpu.sem_alloc : memref<!tpu.dma_semaphore, #tpu.memory_space<semaphore_mem>>
      %dma_start3A_40 = arith.constant 0 : i32
      %dma_start3A_41 = tpu.memref_slice %arg3[%add3A, %mul3A_17, %dma_start3A_40] : memref<32x80x128xi32, #tpu.memory_space<hbm>> -> memref<1x80x128xi32, #tpu.memory_space<hbm>>
      %dma_start3A_42 = tpu.memref_squeeze %dma_start3A_41 : memref<1x80x128xi32, #tpu.memory_space<hbm>> -> memref<80x128xi32, #tpu.memory_space<hbm>>
      %dma_start3A_43 = arith.constant 0 : i32
      %dma_start3A_44 = tpu.memref_slice %arg3[%add3A, %mul3A_17, %dma_start3A_43] : memref<32x80x128xi32, #tpu.memory_space<hbm>> -> memref<1x80x128xi32, #tpu.memory_space<hbm>>
      %dma_start3A_45 = tpu.memref_squeeze %dma_start3A_44 : memref<1x80x128xi32, #tpu.memory_space<hbm>> -> memref<80x128xi32, #tpu.memory_space<hbm>>
      tpu.enqueue_dma source(%dma_start3A_45 : memref<80x128xi32, #tpu.memory_space<hbm>>) target(%arg6 : memref<80x128xi32, #tpu.memory_space<vmem>>) target_semaphore(%run_scoped3A : memref<!tpu.dma_semaphore, #tpu.memory_space<semaphore_mem>>)
      %dma_wait3A = arith.constant 0 : i32
      %dma_wait3A_46 = tpu.memref_slice %arg3[%add3A, %mul3A_17, %dma_wait3A] : memref<32x80x128xi32, #tpu.memory_space<hbm>> -> memref<1x80x128xi32, #tpu.memory_space<hbm>>
      %dma_wait3A_47 = tpu.memref_squeeze %dma_wait3A_46 : memref<1x80x128xi32, #tpu.memory_space<hbm>> -> memref<80x128xi32, #tpu.memory_space<hbm>>
      %dma_wait3A_48 = arith.constant 0 : i32
      %dma_wait3A_49 = tpu.memref_slice %arg3[%add3A, %mul3A_17, %dma_wait3A_48] : memref<32x80x128xi32, #tpu.memory_space<hbm>> -> memref<1x80x128xi32, #tpu.memory_space<hbm>>
      %dma_wait3A_50 = tpu.memref_squeeze %dma_wait3A_49 : memref<1x80x128xi32, #tpu.memory_space<hbm>> -> memref<80x128xi32, #tpu.memory_space<hbm>>
      tpu.wait_dma2 semaphore(%run_scoped3A : memref<!tpu.dma_semaphore, #tpu.memory_space<semaphore_mem>>) src(%dma_wait3A_50 : memref<80x128xi32, #tpu.memory_space<hbm>>) dst(%arg6 : memref<80x128xi32, #tpu.memory_space<vmem>>)
      tpu.yield
    }) : () -> ()
    %mul3A_18 = arith.constant 80 : i32
    %mul3A_19 = arith.muli %scan3A_15, %mul3A_18 : i32
    "tpu.region"() ({
      %run_scoped3A = tpu.sem_alloc : memref<!tpu.dma_semaphore, #tpu.memory_space<semaphore_mem>>
      %dma_start3A_40 = arith.constant 0 : i32
      %dma_start3A_41 = tpu.memref_slice %arg4[%add3A, %mul3A_19, %dma_start3A_40] : memref<32x80x128xi32, #tpu.memory_space<hbm>> -> memref<1x80x128xi32, #tpu.memory_space<hbm>>
      %dma_start3A_42 = tpu.memref_squeeze %dma_start3A_41 : memref<1x80x128xi32, #tpu.memory_space<hbm>> -> memref<80x128xi32, #tpu.memory_space<hbm>>
      %dma_start3A_43 = arith.constant 0 : i32
      %dma_start3A_44 = tpu.memref_slice %arg4[%add3A, %mul3A_19, %dma_start3A_43] : memref<32x80x128xi32, #tpu.memory_space<hbm>> -> memref<1x80x128xi32, #tpu.memory_space<hbm>>
      %dma_start3A_45 = tpu.memref_squeeze %dma_start3A_44 : memref<1x80x128xi32, #tpu.memory_space<hbm>> -> memref<80x128xi32, #tpu.memory_space<hbm>>
      tpu.enqueue_dma source(%dma_start3A_45 : memref<80x128xi32, #tpu.memory_space<hbm>>) target(%arg7 : memref<80x128xi32, #tpu.memory_space<vmem>>) target_semaphore(%run_scoped3A : memref<!tpu.dma_semaphore, #tpu.memory_space<semaphore_mem>>)
      %dma_wait3A = arith.constant 0 : i32
      %dma_wait3A_46 = tpu.memref_slice %arg4[%add3A, %mul3A_19, %dma_wait3A] : memref<32x80x128xi32, #tpu.memory_space<hbm>> -> memref<1x80x128xi32, #tpu.memory_space<hbm>>
      %dma_wait3A_47 = tpu.memref_squeeze %dma_wait3A_46 : memref<1x80x128xi32, #tpu.memory_space<hbm>> -> memref<80x128xi32, #tpu.memory_space<hbm>>
      %dma_wait3A_48 = arith.constant 0 : i32
      %dma_wait3A_49 = tpu.memref_slice %arg4[%add3A, %mul3A_19, %dma_wait3A_48] : memref<32x80x128xi32, #tpu.memory_space<hbm>> -> memref<1x80x128xi32, #tpu.memory_space<hbm>>
      %dma_wait3A_50 = tpu.memref_squeeze %dma_wait3A_49 : memref<1x80x128xi32, #tpu.memory_space<hbm>> -> memref<80x128xi32, #tpu.memory_space<hbm>>
      tpu.wait_dma2 semaphore(%run_scoped3A : memref<!tpu.dma_semaphore, #tpu.memory_space<semaphore_mem>>) src(%dma_wait3A_50 : memref<80x128xi32, #tpu.memory_space<hbm>>) dst(%arg7 : memref<80x128xi32, #tpu.memory_space<vmem>>)
      tpu.yield
    }) : () -> ()
    %dma_start3A = arith.constant 0 : i32
    %dma_start3A_20 = arith.constant 0 : i32
    %dma_start3A_21 = tpu.memref_slice %arg6[%dma_start3A, %dma_start3A_20] : memref<80x128xi32, #tpu.memory_space<vmem>> -> memref<1x128xi32, #tpu.memory_space<vmem>>
    %dma_start3A_22 = tpu.memref_squeeze %dma_start3A_21 : memref<1x128xi32, #tpu.memory_space<vmem>> -> memref<128xi32, #tpu.memory_space<vmem>>
    %dma_start3A_23 = arith.constant 0 : i32
    %dma_start3A_24 = arith.constant 0 : i32
    %dma_start3A_25 = tpu.memref_slice %arg2[%dma_start3A_23, %dma_start3A_24] : memref<10000x64xf32, #tpu.memory_space<hbm>> -> memref<10000x64xf32, #tpu.memory_space<hbm>>
    tpu.enqueue_indirect_dma source(%dma_start3A_25 : memref<10000x64xf32, #tpu.memory_space<hbm>>) target(%arg8 : memref<128x64xf32, #tpu.memory_space<vmem>>) offsets(%dma_start3A_22 : memref<128xi32, #tpu.memory_space<vmem>>) semaphore(%arg11 : memref<!tpu.dma_semaphore, #tpu.memory_space<semaphore_mem>>)
    %dma_start3A_26 = arith.constant 1 : i32
    %dma_start3A_27 = arith.constant 0 : i32
    %dma_start3A_28 = tpu.memref_slice %arg6[%dma_start3A_26, %dma_start3A_27] : memref<80x128xi32, #tpu.memory_space<vmem>> -> memref<1x128xi32, #tpu.memory_space<vmem>>
    %dma_start3A_29 = tpu.memref_squeeze %dma_start3A_28 : memref<1x128xi32, #tpu.memory_space<vmem>> -> memref<128xi32, #tpu.memory_space<vmem>>
    %dma_start3A_30 = arith.constant 0 : i32
    %dma_start3A_31 = arith.constant 0 : i32
    %dma_start3A_32 = tpu.memref_slice %arg2[%dma_start3A_30, %dma_start3A_31] : memref<10000x64xf32, #tpu.memory_space<hbm>> -> memref<10000x64xf32, #tpu.memory_space<hbm>>
    tpu.enqueue_indirect_dma source(%dma_start3A_32 : memref<10000x64xf32, #tpu.memory_space<hbm>>) target(%arg9 : memref<128x64xf32, #tpu.memory_space<vmem>>) offsets(%dma_start3A_29 : memref<128xi32, #tpu.memory_space<vmem>>) semaphore(%arg12 : memref<!tpu.dma_semaphore, #tpu.memory_space<semaphore_mem>>)
    %scan3A_33 = arith.constant 0 : i32
    %scan3A_34 = arith.constant 40 : i32
    %scan3A_35 = arith.addi %scan3A_33, %scan3A_34 : i32
    %scan3A_36 = arith.constant 1 : i32
    scf.for %scan3A_40 = %scan3A_33 to %scan3A_35 step %scan3A_36  : i32 {
      %mul3A_41 = arith.constant 2 : i32
      %mul3A_42 = arith.muli %mul3A_41, %scan3A_40 : i32
      %dma_wait3A = arith.constant 0 : i32
      %dma_wait3A_43 = tpu.memref_slice %arg6[%mul3A_42, %dma_wait3A] : memref<80x128xi32, #tpu.memory_space<vmem>> -> memref<1x128xi32, #tpu.memory_space<vmem>>
      %dma_wait3A_44 = tpu.memref_squeeze %dma_wait3A_43 : memref<1x128xi32, #tpu.memory_space<vmem>> -> memref<128xi32, #tpu.memory_space<vmem>>
      %dma_wait3A_45 = arith.constant 0 : i32
      %dma_wait3A_46 = arith.constant 0 : i32
      %dma_wait3A_47 = tpu.memref_slice %arg2[%dma_wait3A_45, %dma_wait3A_46] : memref<10000x64xf32, #tpu.memory_space<hbm>> -> memref<10000x64xf32, #tpu.memory_space<hbm>>
      tpu.wait_indirect_dma semaphore(%arg11 : memref<!tpu.dma_semaphore, #tpu.memory_space<semaphore_mem>>) src(%dma_wait3A_47 : memref<10000x64xf32, #tpu.memory_space<hbm>>) dst(%arg8 : memref<128x64xf32, #tpu.memory_space<vmem>>)
      "tpu.region"() ({
        %run_scoped3A = tpu.sem_alloc : memref<!tpu.dma_semaphore, #tpu.memory_space<semaphore_mem>>
        %dma_start3A_69 = arith.constant 0 : i32
        %dma_start3A_70 = tpu.memref_slice %arg7[%mul3A_42, %dma_start3A_69] : memref<80x128xi32, #tpu.memory_space<vmem>> -> memref<1x128xi32, #tpu.memory_space<vmem>>
        %dma_start3A_71 = tpu.memref_squeeze %dma_start3A_70 : memref<1x128xi32, #tpu.memory_space<vmem>> -> memref<128xi32, #tpu.memory_space<vmem>>
        %dma_start3A_72 = arith.constant 0 : i32
        %dma_start3A_73 = arith.constant 0 : i32
        %dma_start3A_74 = tpu.memref_slice %arg10[%dma_start3A_72, %dma_start3A_73] : memref<10240x64xf32, #tpu.memory_space<vmem_shared>> -> memref<10240x64xf32, #tpu.memory_space<vmem_shared>>
        tpu.enqueue_indirect_dma source(%arg8 : memref<128x64xf32, #tpu.memory_space<vmem>>) target(%dma_start3A_74 : memref<10240x64xf32, #tpu.memory_space<vmem_shared>>) offsets(%dma_start3A_71 : memref<128xi32, #tpu.memory_space<vmem>>) semaphore(%run_scoped3A : memref<!tpu.dma_semaphore, #tpu.memory_space<semaphore_mem>>) {add = true}
        %dma_wait3A_75 = arith.constant 0 : i32
        %dma_wait3A_76 = tpu.memref_slice %arg7[%mul3A_42, %dma_wait3A_75] : memref<80x128xi32, #tpu.memory_space<vmem>> -> memref<1x128xi32, #tpu.memory_space<vmem>>
        %dma_wait3A_77 = tpu.memref_squeeze %dma_wait3A_76 : memref<1x128xi32, #tpu.memory_space<vmem>> -> memref<128xi32, #tpu.memory_space<vmem>>
        %dma_wait3A_78 = arith.constant 0 : i32
        %dma_wait3A_79 = arith.constant 0 : i32
        %dma_wait3A_80 = tpu.memref_slice %arg10[%dma_wait3A_78, %dma_wait3A_79] : memref<10240x64xf32, #tpu.memory_space<vmem_shared>> -> memref<10240x64xf32, #tpu.memory_space<vmem_shared>>
        tpu.wait_indirect_dma semaphore(%run_scoped3A : memref<!tpu.dma_semaphore, #tpu.memory_space<semaphore_mem>>) src(%arg8 : memref<128x64xf32, #tpu.memory_space<vmem>>) dst(%dma_wait3A_80 : memref<10240x64xf32, #tpu.memory_space<vmem_shared>>)
        tpu.yield
      }) : () -> ()
      %add3A_48 = arith.constant 2 : i32
      %add3A_49 = arith.addi %mul3A_42, %add3A_48 : i32
      %lt3A = arith.constant 80 : i32
      %lt3A_50 = arith.cmpi slt, %add3A_49, %lt3A : i32
      %convert_element_type3A = arith.extui %lt3A_50 : i1 to i32
      %cond3A = arith.constant 0 : i32
      %cond3A_51 = arith.cmpi ne, %convert_element_type3A, %cond3A : i32
      scf.if %cond3A_51 {
        %add3A_69 = arith.constant 2 : i32
        %add3A_70 = arith.addi %mul3A_42, %add3A_69 : i32
        %dma_start3A_71 = arith.constant 0 : i32
        %dma_start3A_72 = tpu.memref_slice %arg6[%add3A_70, %dma_start3A_71] : memref<80x128xi32, #tpu.memory_space<vmem>> -> memref<1x128xi32, #tpu.memory_space<vmem>>
        %dma_start3A_73 = tpu.memref_squeeze %dma_start3A_72 : memref<1x128xi32, #tpu.memory_space<vmem>> -> memref<128xi32, #tpu.memory_space<vmem>>
        %dma_start3A_74 = arith.constant 0 : i32
        %dma_start3A_75 = arith.constant 0 : i32
        %dma_start3A_76 = tpu.memref_slice %arg2[%dma_start3A_74, %dma_start3A_75] : memref<10000x64xf32, #tpu.memory_space<hbm>> -> memref<10000x64xf32, #tpu.memory_space<hbm>>
        tpu.enqueue_indirect_dma source(%dma_start3A_76 : memref<10000x64xf32, #tpu.memory_space<hbm>>) target(%arg8 : memref<128x64xf32, #tpu.memory_space<vmem>>) offsets(%dma_start3A_73 : memref<128xi32, #tpu.memory_space<vmem>>) semaphore(%arg11 : memref<!tpu.dma_semaphore, #tpu.memory_space<semaphore_mem>>)
      } else {
      }
      %add3A_52 = arith.constant 1 : i32
      %add3A_53 = arith.addi %mul3A_42, %add3A_52 : i32
      %dma_wait3A_54 = arith.constant 0 : i32
      %dma_wait3A_55 = tpu.memref_slice %arg6[%add3A_53, %dma_wait3A_54] : memref<80x128xi32, #tpu.memory_space<vmem>> -> memref<1x128xi32, #tpu.memory_space<vmem>>
      %dma_wait3A_56 = tpu.memref_squeeze %dma_wait3A_55 : memref<1x128xi32, #tpu.memory_space<vmem>> -> memref<128xi32, #tpu.memory_space<vmem>>
      %dma_wait3A_57 = arith.constant 0 : i32
      %dma_wait3A_58 = arith.constant 0 : i32
      %dma_wait3A_59 = tpu.memref_slice %arg2[%dma_wait3A_57, %dma_wait3A_58] : memref<10000x64xf32, #tpu.memory_space<hbm>> -> memref<10000x64xf32, #tpu.memory_space<hbm>>
      tpu.wait_indirect_dma semaphore(%arg12 : memref<!tpu.dma_semaphore, #tpu.memory_space<semaphore_mem>>) src(%dma_wait3A_59 : memref<10000x64xf32, #tpu.memory_space<hbm>>) dst(%arg9 : memref<128x64xf32, #tpu.memory_space<vmem>>)
      %add3A_60 = arith.constant 1 : i32
      %add3A_61 = arith.addi %mul3A_42, %add3A_60 : i32
      "tpu.region"() ({
        %run_scoped3A = tpu.sem_alloc : memref<!tpu.dma_semaphore, #tpu.memory_space<semaphore_mem>>
        %dma_start3A_69 = arith.constant 0 : i32
        %dma_start3A_70 = tpu.memref_slice %arg7[%add3A_61, %dma_start3A_69] : memref<80x128xi32, #tpu.memory_space<vmem>> -> memref<1x128xi32, #tpu.memory_space<vmem>>
        %dma_start3A_71 = tpu.memref_squeeze %dma_start3A_70 : memref<1x128xi32, #tpu.memory_space<vmem>> -> memref<128xi32, #tpu.memory_space<vmem>>
        %dma_start3A_72 = arith.constant 0 : i32
        %dma_start3A_73 = arith.constant 0 : i32
        %dma_start3A_74 = tpu.memref_slice %arg10[%dma_start3A_72, %dma_start3A_73] : memref<10240x64xf32, #tpu.memory_space<vmem_shared>> -> memref<10240x64xf32, #tpu.memory_space<vmem_shared>>
        tpu.enqueue_indirect_dma source(%arg9 : memref<128x64xf32, #tpu.memory_space<vmem>>) target(%dma_start3A_74 : memref<10240x64xf32, #tpu.memory_space<vmem_shared>>) offsets(%dma_start3A_71 : memref<128xi32, #tpu.memory_space<vmem>>) semaphore(%run_scoped3A : memref<!tpu.dma_semaphore, #tpu.memory_space<semaphore_mem>>) {add = true}
        %dma_wait3A_75 = arith.constant 0 : i32
        %dma_wait3A_76 = tpu.memref_slice %arg7[%add3A_61, %dma_wait3A_75] : memref<80x128xi32, #tpu.memory_space<vmem>> -> memref<1x128xi32, #tpu.memory_space<vmem>>
        %dma_wait3A_77 = tpu.memref_squeeze %dma_wait3A_76 : memref<1x128xi32, #tpu.memory_space<vmem>> -> memref<128xi32, #tpu.memory_space<vmem>>
        %dma_wait3A_78 = arith.constant 0 : i32
        %dma_wait3A_79 = arith.constant 0 : i32
        %dma_wait3A_80 = tpu.memref_slice %arg10[%dma_wait3A_78, %dma_wait3A_79] : memref<10240x64xf32, #tpu.memory_space<vmem_shared>> -> memref<10240x64xf32, #tpu.memory_space<vmem_shared>>
        tpu.wait_indirect_dma semaphore(%run_scoped3A : memref<!tpu.dma_semaphore, #tpu.memory_space<semaphore_mem>>) src(%arg9 : memref<128x64xf32, #tpu.memory_space<vmem>>) dst(%dma_wait3A_80 : memref<10240x64xf32, #tpu.memory_space<vmem_shared>>)
        tpu.yield
      }) : () -> ()
      %add3A_62 = arith.constant 3 : i32
      %add3A_63 = arith.addi %mul3A_42, %add3A_62 : i32
      %lt3A_64 = arith.constant 80 : i32
      %lt3A_65 = arith.cmpi slt, %add3A_63, %lt3A_64 : i32
      %convert_element_type3A_66 = arith.extui %lt3A_65 : i1 to i32
      %cond3A_67 = arith.constant 0 : i32
      %cond3A_68 = arith.cmpi ne, %convert_element_type3A_66, %cond3A_67 : i32
      scf.if %cond3A_68 {
        %add3A_69 = arith.constant 3 : i32
        %add3A_70 = arith.addi %mul3A_42, %add3A_69 : i32
        %dma_start3A_71 = arith.constant 0 : i32
        %dma_start3A_72 = tpu.memref_slice %arg6[%add3A_70, %dma_start3A_71] : memref<80x128xi32, #tpu.memory_space<vmem>> -> memref<1x128xi32, #tpu.memory_space<vmem>>
        %dma_start3A_73 = tpu.memref_squeeze %dma_start3A_72 : memref<1x128xi32, #tpu.memory_space<vmem>> -> memref<128xi32, #tpu.memory_space<vmem>>
        %dma_start3A_74 = arith.constant 0 : i32
        %dma_start3A_75 = arith.constant 0 : i32
        %dma_start3A_76 = tpu.memref_slice %arg2[%dma_start3A_74, %dma_start3A_75] : memref<10000x64xf32, #tpu.memory_space<hbm>> -> memref<10000x64xf32, #tpu.memory_space<hbm>>
        tpu.enqueue_indirect_dma source(%dma_start3A_76 : memref<10000x64xf32, #tpu.memory_space<hbm>>) target(%arg9 : memref<128x64xf32, #tpu.memory_space<vmem>>) offsets(%dma_start3A_73 : memref<128xi32, #tpu.memory_space<vmem>>) semaphore(%arg12 : memref<!tpu.dma_semaphore, #tpu.memory_space<semaphore_mem>>)
      } else {
      }
    }
    %scan3A_37 = arith.constant 40 : i32
    %scan3A_38 = arith.constant 1 : i32
    %barrier3A_39 = arith.constant 0 : index
    tpu.barrier barrier_id(%barrier3A_39)
    "tpu.region"() ({
      %run_scoped3A = tpu.sem_alloc : memref<!tpu.dma_semaphore, #tpu.memory_space<semaphore_mem>>
      %dma_start3A_40 = arith.constant 0 : i32
      %dma_start3A_41 = tpu.memref_slice %arg5[%arg0, %mul3A_2, %dma_start3A_40] : memref<2x10240x64xf32, #tpu.memory_space<hbm>> -> memref<1x640x64xf32, #tpu.memory_space<hbm>>
      %dma_start3A_42 = tpu.memref_squeeze %dma_start3A_41 : memref<1x640x64xf32, #tpu.memory_space<hbm>> -> memref<640x64xf32, #tpu.memory_space<hbm>>
      %dma_start3A_43 = arith.constant 0 : i32
      %dma_start3A_44 = tpu.memref_slice %arg10[%mul3A_2, %dma_start3A_43] : memref<10240x64xf32, #tpu.memory_space<vmem_shared>> -> memref<640x64xf32, #tpu.memory_space<vmem_shared>>
      tpu.enqueue_dma source(%dma_start3A_44 : memref<640x64xf32, #tpu.memory_space<vmem_shared>>) target(%dma_start3A_42 : memref<640x64xf32, #tpu.memory_space<hbm>>) target_semaphore(%run_scoped3A : memref<!tpu.dma_semaphore, #tpu.memory_space<semaphore_mem>>)
      %dma_wait3A = arith.constant 0 : i32
      %dma_wait3A_45 = tpu.memref_slice %arg5[%arg0, %mul3A_2, %dma_wait3A] : memref<2x10240x64xf32, #tpu.memory_space<hbm>> -> memref<1x640x64xf32, #tpu.memory_space<hbm>>
      %dma_wait3A_46 = tpu.memref_squeeze %dma_wait3A_45 : memref<1x640x64xf32, #tpu.memory_space<hbm>> -> memref<640x64xf32, #tpu.memory_space<hbm>>
      %dma_wait3A_47 = arith.constant 0 : i32
      %dma_wait3A_48 = tpu.memref_slice %arg10[%mul3A_2, %dma_wait3A_47] : memref<10240x64xf32, #tpu.memory_space<vmem_shared>> -> memref<640x64xf32, #tpu.memory_space<vmem_shared>>
      tpu.wait_dma2 semaphore(%run_scoped3A : memref<!tpu.dma_semaphore, #tpu.memory_space<semaphore_mem>>) src(%dma_wait3A_48 : memref<640x64xf32, #tpu.memory_space<vmem_shared>>) dst(%dma_wait3A_46 : memref<640x64xf32, #tpu.memory_space<hbm>>)
      tpu.yield
    }) : () -> ()
    return
  }
}

#map = affine_map<(d0, d1) -> (0, 0)>
#map1 = affine_map<(d0, d1) -> (0, 0, 0)>
module attributes {stable_mosaic.version = 14 : i64} {
  func.func @propagate(%arg0: i32, %arg1: i32, %arg2: memref<10000x128xf32, #tpu.memory_space<hbm>>, %arg3: memref<32x80x128xi32, #tpu.memory_space<hbm>>, %arg4: memref<32x80x128xi32, #tpu.memory_space<hbm>>, %arg5: memref<2x10240x128xf32, #tpu.memory_space<hbm>>, %arg6: memref<40x128xi32, #tpu.memory_space<vmem>>, %arg7: memref<40x128xi32, #tpu.memory_space<vmem>>, %arg8: memref<128x128xf32, #tpu.memory_space<vmem>>, %arg9: memref<128x128xf32, #tpu.memory_space<vmem>>, %arg10: memref<10240x128xf32, #tpu.memory_space<vmem_shared>>, %arg11: memref<!tpu.dma_semaphore, #tpu.memory_space<semaphore_mem>>, %arg12: memref<!tpu.dma_semaphore, #tpu.memory_space<semaphore_mem>>) attributes {dimension_semantics = [#tpu.dimension_semantics<core_parallel>, #tpu.dimension_semantics<subcore_parallel>], iteration_bounds = array<i64: 2, 16>, scalar_prefetch = 0 : i64, scratch_operands = 7 : i64, tpu.core_type = #tpu.core_type<sc_vector_subcore>, window_params = [{transform_indices = #map}, {transform_indices = #map1}, {transform_indices = #map1}, {transform_indices = #map1}]} {
    %mul3A = arith.constant 16 : i32
    %mul3A_0 = arith.muli %arg0, %mul3A : i32
    %add3A = arith.addi %mul3A_0, %arg1 : i32
    %mul3A_1 = arith.constant 640 : i32
    %mul3A_2 = arith.muli %arg1, %mul3A_1 : i32
    %scan3A = arith.constant 0 : i32
    %scan3A_3 = arith.constant 0 : i32
    %scan3A_4 = arith.constant 128 : i32
    %scan3A_5 = arith.addi %scan3A_3, %scan3A_4 : i32
    %scan3A_6 = arith.constant 1 : i32
    scf.for %scan3A_21 = %scan3A_3 to %scan3A_5 step %scan3A_6  : i32 {
      %scan3A_22 = arith.constant 0 : i32
      %scan3A_23 = arith.constant 8 : i32
      %scan3A_24 = arith.addi %scan3A_22, %scan3A_23 : i32
      %scan3A_25 = arith.constant 1 : i32
      scf.for %scan3A_27 = %scan3A_22 to %scan3A_24 step %scan3A_25  : i32 {
        %broadcast_in_dim3A = arith.constant 0.000000e+00 : f32
        %broadcast_in_dim3A_28 = vector.broadcast %broadcast_in_dim3A : f32 to vector<16xf32>
        %mul3A_29 = arith.constant 16 : i32
        %mul3A_30 = arith.muli %scan3A_27, %mul3A_29 : i32
        %swap3A = arith.index_cast %scan3A_21 : i32 to index
        %swap3A_31 = arith.index_cast %mul3A_30 : i32 to index
        %swap3A_32 = tpu.vector_load %arg8[%swap3A, %swap3A_31] {strides = array<i32>} : memref<128x128xf32, #tpu.memory_space<vmem>>, vector<1x16xf32>,
        %swap3A_33 = vector.shape_cast %swap3A_32 : vector<1x16xf32> to vector<16xf32>
        %swap3A_34 = vector.shape_cast %broadcast_in_dim3A_28 : vector<16xf32> to vector<1x16xf32>
        tpu.vector_store %arg8[%swap3A, %swap3A_31], %swap3A_34 {strides = array<i32>} : memref<128x128xf32, #tpu.memory_space<vmem>>, vector<1x16xf32>,
      }
      %scan3A_26 = arith.constant 8 : i32
    }
    %scan3A_7 = arith.constant 128 : i32
    %scan3A_8 = arith.constant 0 : i32
    %scan3A_9 = arith.constant 0 : i32
    %scan3A_10 = arith.constant 5 : i32
    %scan3A_11 = arith.addi %scan3A_9, %scan3A_10 : i32
    %scan3A_12 = arith.constant 1 : i32
    scf.for %scan3A_21 = %scan3A_9 to %scan3A_11 step %scan3A_12  : i32 {
      %mul3A_22 = arith.constant 128 : i32
      %mul3A_23 = arith.muli %scan3A_21, %mul3A_22 : i32
      %add3A_24 = arith.addi %mul3A_2, %mul3A_23 : i32
      "tpu.region"() ({
        %run_scoped3A = tpu.sem_alloc : memref<!tpu.dma_semaphore, #tpu.memory_space<semaphore_mem>>
        %dma_start3A = arith.constant 0 : i32
        %dma_start3A_25 = tpu.memref_slice %arg10[%add3A_24, %dma_start3A] : memref<10240x128xf32, #tpu.memory_space<vmem_shared>> -> memref<128x128xf32, #tpu.memory_space<vmem_shared>>
        %dma_start3A_26 = arith.constant 0 : i32
        %dma_start3A_27 = tpu.memref_slice %arg10[%add3A_24, %dma_start3A_26] : memref<10240x128xf32, #tpu.memory_space<vmem_shared>> -> memref<128x128xf32, #tpu.memory_space<vmem_shared>>
        tpu.enqueue_dma source(%arg8 : memref<128x128xf32, #tpu.memory_space<vmem>>) target(%dma_start3A_27 : memref<128x128xf32, #tpu.memory_space<vmem_shared>>) target_semaphore(%run_scoped3A : memref<!tpu.dma_semaphore, #tpu.memory_space<semaphore_mem>>)
        %dma_wait3A = arith.constant 0 : i32
        %dma_wait3A_28 = tpu.memref_slice %arg10[%add3A_24, %dma_wait3A] : memref<10240x128xf32, #tpu.memory_space<vmem_shared>> -> memref<128x128xf32, #tpu.memory_space<vmem_shared>>
        %dma_wait3A_29 = arith.constant 0 : i32
        %dma_wait3A_30 = tpu.memref_slice %arg10[%add3A_24, %dma_wait3A_29] : memref<10240x128xf32, #tpu.memory_space<vmem_shared>> -> memref<128x128xf32, #tpu.memory_space<vmem_shared>>
        tpu.wait_dma2 semaphore(%run_scoped3A : memref<!tpu.dma_semaphore, #tpu.memory_space<semaphore_mem>>) src(%arg8 : memref<128x128xf32, #tpu.memory_space<vmem>>) dst(%dma_wait3A_30 : memref<128x128xf32, #tpu.memory_space<vmem_shared>>)
        tpu.yield
      }) : () -> ()
    }
    %scan3A_13 = arith.constant 5 : i32
    %barrier3A = arith.constant 0 : index
    tpu.barrier barrier_id(%barrier3A)
    %scan3A_14 = arith.constant 0 : i32
    %scan3A_15 = arith.constant 0 : i32
    %scan3A_16 = arith.constant 2 : i32
    %scan3A_17 = arith.addi %scan3A_15, %scan3A_16 : i32
    %scan3A_18 = arith.constant 1 : i32
    scf.for %scan3A_21 = %scan3A_15 to %scan3A_17 step %scan3A_18  : i32 {
      %mul3A_22 = arith.constant 40 : i32
      %mul3A_23 = arith.muli %scan3A_21, %mul3A_22 : i32
      "tpu.region"() ({
        %run_scoped3A = tpu.sem_alloc : memref<!tpu.dma_semaphore, #tpu.memory_space<semaphore_mem>>
        %dma_start3A_44 = arith.constant 0 : i32
        %dma_start3A_45 = tpu.memref_slice %arg3[%add3A, %mul3A_23, %dma_start3A_44] : memref<32x80x128xi32, #tpu.memory_space<hbm>> -> memref<1x40x128xi32, #tpu.memory_space<hbm>>
        %dma_start3A_46 = tpu.memref_squeeze %dma_start3A_45 : memref<1x40x128xi32, #tpu.memory_space<hbm>> -> memref<40x128xi32, #tpu.memory_space<hbm>>
        %dma_start3A_47 = arith.constant 0 : i32
        %dma_start3A_48 = tpu.memref_slice %arg3[%add3A, %mul3A_23, %dma_start3A_47] : memref<32x80x128xi32, #tpu.memory_space<hbm>> -> memref<1x40x128xi32, #tpu.memory_space<hbm>>
        %dma_start3A_49 = tpu.memref_squeeze %dma_start3A_48 : memref<1x40x128xi32, #tpu.memory_space<hbm>> -> memref<40x128xi32, #tpu.memory_space<hbm>>
        tpu.enqueue_dma source(%dma_start3A_49 : memref<40x128xi32, #tpu.memory_space<hbm>>) target(%arg6 : memref<40x128xi32, #tpu.memory_space<vmem>>) target_semaphore(%run_scoped3A : memref<!tpu.dma_semaphore, #tpu.memory_space<semaphore_mem>>)
        %dma_wait3A = arith.constant 0 : i32
        %dma_wait3A_50 = tpu.memref_slice %arg3[%add3A, %mul3A_23, %dma_wait3A] : memref<32x80x128xi32, #tpu.memory_space<hbm>> -> memref<1x40x128xi32, #tpu.memory_space<hbm>>
        %dma_wait3A_51 = tpu.memref_squeeze %dma_wait3A_50 : memref<1x40x128xi32, #tpu.memory_space<hbm>> -> memref<40x128xi32, #tpu.memory_space<hbm>>
        %dma_wait3A_52 = arith.constant 0 : i32
        %dma_wait3A_53 = tpu.memref_slice %arg3[%add3A, %mul3A_23, %dma_wait3A_52] : memref<32x80x128xi32, #tpu.memory_space<hbm>> -> memref<1x40x128xi32, #tpu.memory_space<hbm>>
        %dma_wait3A_54 = tpu.memref_squeeze %dma_wait3A_53 : memref<1x40x128xi32, #tpu.memory_space<hbm>> -> memref<40x128xi32, #tpu.memory_space<hbm>>
        tpu.wait_dma2 semaphore(%run_scoped3A : memref<!tpu.dma_semaphore, #tpu.memory_space<semaphore_mem>>) src(%dma_wait3A_54 : memref<40x128xi32, #tpu.memory_space<hbm>>) dst(%arg6 : memref<40x128xi32, #tpu.memory_space<vmem>>)
        tpu.yield
      }) : () -> ()
      %mul3A_24 = arith.constant 40 : i32
      %mul3A_25 = arith.muli %scan3A_21, %mul3A_24 : i32
      "tpu.region"() ({
        %run_scoped3A = tpu.sem_alloc : memref<!tpu.dma_semaphore, #tpu.memory_space<semaphore_mem>>
        %dma_start3A_44 = arith.constant 0 : i32
        %dma_start3A_45 = tpu.memref_slice %arg4[%add3A, %mul3A_25, %dma_start3A_44] : memref<32x80x128xi32, #tpu.memory_space<hbm>> -> memref<1x40x128xi32, #tpu.memory_space<hbm>>
        %dma_start3A_46 = tpu.memref_squeeze %dma_start3A_45 : memref<1x40x128xi32, #tpu.memory_space<hbm>> -> memref<40x128xi32, #tpu.memory_space<hbm>>
        %dma_start3A_47 = arith.constant 0 : i32
        %dma_start3A_48 = tpu.memref_slice %arg4[%add3A, %mul3A_25, %dma_start3A_47] : memref<32x80x128xi32, #tpu.memory_space<hbm>> -> memref<1x40x128xi32, #tpu.memory_space<hbm>>
        %dma_start3A_49 = tpu.memref_squeeze %dma_start3A_48 : memref<1x40x128xi32, #tpu.memory_space<hbm>> -> memref<40x128xi32, #tpu.memory_space<hbm>>
        tpu.enqueue_dma source(%dma_start3A_49 : memref<40x128xi32, #tpu.memory_space<hbm>>) target(%arg7 : memref<40x128xi32, #tpu.memory_space<vmem>>) target_semaphore(%run_scoped3A : memref<!tpu.dma_semaphore, #tpu.memory_space<semaphore_mem>>)
        %dma_wait3A = arith.constant 0 : i32
        %dma_wait3A_50 = tpu.memref_slice %arg4[%add3A, %mul3A_25, %dma_wait3A] : memref<32x80x128xi32, #tpu.memory_space<hbm>> -> memref<1x40x128xi32, #tpu.memory_space<hbm>>
        %dma_wait3A_51 = tpu.memref_squeeze %dma_wait3A_50 : memref<1x40x128xi32, #tpu.memory_space<hbm>> -> memref<40x128xi32, #tpu.memory_space<hbm>>
        %dma_wait3A_52 = arith.constant 0 : i32
        %dma_wait3A_53 = tpu.memref_slice %arg4[%add3A, %mul3A_25, %dma_wait3A_52] : memref<32x80x128xi32, #tpu.memory_space<hbm>> -> memref<1x40x128xi32, #tpu.memory_space<hbm>>
        %dma_wait3A_54 = tpu.memref_squeeze %dma_wait3A_53 : memref<1x40x128xi32, #tpu.memory_space<hbm>> -> memref<40x128xi32, #tpu.memory_space<hbm>>
        tpu.wait_dma2 semaphore(%run_scoped3A : memref<!tpu.dma_semaphore, #tpu.memory_space<semaphore_mem>>) src(%dma_wait3A_54 : memref<40x128xi32, #tpu.memory_space<hbm>>) dst(%arg7 : memref<40x128xi32, #tpu.memory_space<vmem>>)
        tpu.yield
      }) : () -> ()
      %dma_start3A = arith.constant 0 : i32
      %dma_start3A_26 = arith.constant 0 : i32
      %dma_start3A_27 = tpu.memref_slice %arg6[%dma_start3A, %dma_start3A_26] : memref<40x128xi32, #tpu.memory_space<vmem>> -> memref<1x128xi32, #tpu.memory_space<vmem>>
      %dma_start3A_28 = tpu.memref_squeeze %dma_start3A_27 : memref<1x128xi32, #tpu.memory_space<vmem>> -> memref<128xi32, #tpu.memory_space<vmem>>
      %dma_start3A_29 = arith.constant 0 : i32
      %dma_start3A_30 = arith.constant 0 : i32
      %dma_start3A_31 = tpu.memref_slice %arg2[%dma_start3A_29, %dma_start3A_30] : memref<10000x128xf32, #tpu.memory_space<hbm>> -> memref<10000x128xf32, #tpu.memory_space<hbm>>
      tpu.enqueue_indirect_dma source(%dma_start3A_31 : memref<10000x128xf32, #tpu.memory_space<hbm>>) target(%arg8 : memref<128x128xf32, #tpu.memory_space<vmem>>) offsets(%dma_start3A_28 : memref<128xi32, #tpu.memory_space<vmem>>) semaphore(%arg11 : memref<!tpu.dma_semaphore, #tpu.memory_space<semaphore_mem>>)
      %dma_start3A_32 = arith.constant 1 : i32
      %dma_start3A_33 = arith.constant 0 : i32
      %dma_start3A_34 = tpu.memref_slice %arg6[%dma_start3A_32, %dma_start3A_33] : memref<40x128xi32, #tpu.memory_space<vmem>> -> memref<1x128xi32, #tpu.memory_space<vmem>>
      %dma_start3A_35 = tpu.memref_squeeze %dma_start3A_34 : memref<1x128xi32, #tpu.memory_space<vmem>> -> memref<128xi32, #tpu.memory_space<vmem>>
      %dma_start3A_36 = arith.constant 0 : i32
      %dma_start3A_37 = arith.constant 0 : i32
      %dma_start3A_38 = tpu.memref_slice %arg2[%dma_start3A_36, %dma_start3A_37] : memref<10000x128xf32, #tpu.memory_space<hbm>> -> memref<10000x128xf32, #tpu.memory_space<hbm>>
      tpu.enqueue_indirect_dma source(%dma_start3A_38 : memref<10000x128xf32, #tpu.memory_space<hbm>>) target(%arg9 : memref<128x128xf32, #tpu.memory_space<vmem>>) offsets(%dma_start3A_35 : memref<128xi32, #tpu.memory_space<vmem>>) semaphore(%arg12 : memref<!tpu.dma_semaphore, #tpu.memory_space<semaphore_mem>>)
      %scan3A_39 = arith.constant 0 : i32
      %scan3A_40 = arith.constant 20 : i32
      %scan3A_41 = arith.addi %scan3A_39, %scan3A_40 : i32
      %scan3A_42 = arith.constant 1 : i32
      scf.for %scan3A_44 = %scan3A_39 to %scan3A_41 step %scan3A_42  : i32 {
        %mul3A_45 = arith.constant 2 : i32
        %mul3A_46 = arith.muli %mul3A_45, %scan3A_44 : i32
        %dma_wait3A = arith.constant 0 : i32
        %dma_wait3A_47 = tpu.memref_slice %arg6[%mul3A_46, %dma_wait3A] : memref<40x128xi32, #tpu.memory_space<vmem>> -> memref<1x128xi32, #tpu.memory_space<vmem>>
        %dma_wait3A_48 = tpu.memref_squeeze %dma_wait3A_47 : memref<1x128xi32, #tpu.memory_space<vmem>> -> memref<128xi32, #tpu.memory_space<vmem>>
        %dma_wait3A_49 = arith.constant 0 : i32
        %dma_wait3A_50 = arith.constant 0 : i32
        %dma_wait3A_51 = tpu.memref_slice %arg2[%dma_wait3A_49, %dma_wait3A_50] : memref<10000x128xf32, #tpu.memory_space<hbm>> -> memref<10000x128xf32, #tpu.memory_space<hbm>>
        tpu.wait_indirect_dma semaphore(%arg11 : memref<!tpu.dma_semaphore, #tpu.memory_space<semaphore_mem>>) src(%dma_wait3A_51 : memref<10000x128xf32, #tpu.memory_space<hbm>>) dst(%arg8 : memref<128x128xf32, #tpu.memory_space<vmem>>)
        "tpu.region"() ({
          %run_scoped3A = tpu.sem_alloc : memref<!tpu.dma_semaphore, #tpu.memory_space<semaphore_mem>>
          %dma_start3A_73 = arith.constant 0 : i32
          %dma_start3A_74 = tpu.memref_slice %arg7[%mul3A_46, %dma_start3A_73] : memref<40x128xi32, #tpu.memory_space<vmem>> -> memref<1x128xi32, #tpu.memory_space<vmem>>
          %dma_start3A_75 = tpu.memref_squeeze %dma_start3A_74 : memref<1x128xi32, #tpu.memory_space<vmem>> -> memref<128xi32, #tpu.memory_space<vmem>>
          %dma_start3A_76 = arith.constant 0 : i32
          %dma_start3A_77 = arith.constant 0 : i32
          %dma_start3A_78 = tpu.memref_slice %arg10[%dma_start3A_76, %dma_start3A_77] : memref<10240x128xf32, #tpu.memory_space<vmem_shared>> -> memref<10240x128xf32, #tpu.memory_space<vmem_shared>>
          tpu.enqueue_indirect_dma source(%arg8 : memref<128x128xf32, #tpu.memory_space<vmem>>) target(%dma_start3A_78 : memref<10240x128xf32, #tpu.memory_space<vmem_shared>>) offsets(%dma_start3A_75 : memref<128xi32, #tpu.memory_space<vmem>>) semaphore(%run_scoped3A : memref<!tpu.dma_semaphore, #tpu.memory_space<semaphore_mem>>) {add = true}
          %dma_wait3A_79 = arith.constant 0 : i32
          %dma_wait3A_80 = tpu.memref_slice %arg7[%mul3A_46, %dma_wait3A_79] : memref<40x128xi32, #tpu.memory_space<vmem>> -> memref<1x128xi32, #tpu.memory_space<vmem>>
          %dma_wait3A_81 = tpu.memref_squeeze %dma_wait3A_80 : memref<1x128xi32, #tpu.memory_space<vmem>> -> memref<128xi32, #tpu.memory_space<vmem>>
          %dma_wait3A_82 = arith.constant 0 : i32
          %dma_wait3A_83 = arith.constant 0 : i32
          %dma_wait3A_84 = tpu.memref_slice %arg10[%dma_wait3A_82, %dma_wait3A_83] : memref<10240x128xf32, #tpu.memory_space<vmem_shared>> -> memref<10240x128xf32, #tpu.memory_space<vmem_shared>>
          tpu.wait_indirect_dma semaphore(%run_scoped3A : memref<!tpu.dma_semaphore, #tpu.memory_space<semaphore_mem>>) src(%arg8 : memref<128x128xf32, #tpu.memory_space<vmem>>) dst(%dma_wait3A_84 : memref<10240x128xf32, #tpu.memory_space<vmem_shared>>)
          tpu.yield
        }) : () -> ()
        %add3A_52 = arith.constant 2 : i32
        %add3A_53 = arith.addi %mul3A_46, %add3A_52 : i32
        %lt3A = arith.constant 40 : i32
        %lt3A_54 = arith.cmpi slt, %add3A_53, %lt3A : i32
        %convert_element_type3A = arith.extui %lt3A_54 : i1 to i32
        %cond3A = arith.constant 0 : i32
        %cond3A_55 = arith.cmpi ne, %convert_element_type3A, %cond3A : i32
        scf.if %cond3A_55 {
          %add3A_73 = arith.constant 2 : i32
          %add3A_74 = arith.addi %mul3A_46, %add3A_73 : i32
          %dma_start3A_75 = arith.constant 0 : i32
          %dma_start3A_76 = tpu.memref_slice %arg6[%add3A_74, %dma_start3A_75] : memref<40x128xi32, #tpu.memory_space<vmem>> -> memref<1x128xi32, #tpu.memory_space<vmem>>
          %dma_start3A_77 = tpu.memref_squeeze %dma_start3A_76 : memref<1x128xi32, #tpu.memory_space<vmem>> -> memref<128xi32, #tpu.memory_space<vmem>>
          %dma_start3A_78 = arith.constant 0 : i32
          %dma_start3A_79 = arith.constant 0 : i32
          %dma_start3A_80 = tpu.memref_slice %arg2[%dma_start3A_78, %dma_start3A_79] : memref<10000x128xf32, #tpu.memory_space<hbm>> -> memref<10000x128xf32, #tpu.memory_space<hbm>>
          tpu.enqueue_indirect_dma source(%dma_start3A_80 : memref<10000x128xf32, #tpu.memory_space<hbm>>) target(%arg8 : memref<128x128xf32, #tpu.memory_space<vmem>>) offsets(%dma_start3A_77 : memref<128xi32, #tpu.memory_space<vmem>>) semaphore(%arg11 : memref<!tpu.dma_semaphore, #tpu.memory_space<semaphore_mem>>)
        } else {
        }
        %add3A_56 = arith.constant 1 : i32
        %add3A_57 = arith.addi %mul3A_46, %add3A_56 : i32
        %dma_wait3A_58 = arith.constant 0 : i32
        %dma_wait3A_59 = tpu.memref_slice %arg6[%add3A_57, %dma_wait3A_58] : memref<40x128xi32, #tpu.memory_space<vmem>> -> memref<1x128xi32, #tpu.memory_space<vmem>>
        %dma_wait3A_60 = tpu.memref_squeeze %dma_wait3A_59 : memref<1x128xi32, #tpu.memory_space<vmem>> -> memref<128xi32, #tpu.memory_space<vmem>>
        %dma_wait3A_61 = arith.constant 0 : i32
        %dma_wait3A_62 = arith.constant 0 : i32
        %dma_wait3A_63 = tpu.memref_slice %arg2[%dma_wait3A_61, %dma_wait3A_62] : memref<10000x128xf32, #tpu.memory_space<hbm>> -> memref<10000x128xf32, #tpu.memory_space<hbm>>
        tpu.wait_indirect_dma semaphore(%arg12 : memref<!tpu.dma_semaphore, #tpu.memory_space<semaphore_mem>>) src(%dma_wait3A_63 : memref<10000x128xf32, #tpu.memory_space<hbm>>) dst(%arg9 : memref<128x128xf32, #tpu.memory_space<vmem>>)
        %add3A_64 = arith.constant 1 : i32
        %add3A_65 = arith.addi %mul3A_46, %add3A_64 : i32
        "tpu.region"() ({
          %run_scoped3A = tpu.sem_alloc : memref<!tpu.dma_semaphore, #tpu.memory_space<semaphore_mem>>
          %dma_start3A_73 = arith.constant 0 : i32
          %dma_start3A_74 = tpu.memref_slice %arg7[%add3A_65, %dma_start3A_73] : memref<40x128xi32, #tpu.memory_space<vmem>> -> memref<1x128xi32, #tpu.memory_space<vmem>>
          %dma_start3A_75 = tpu.memref_squeeze %dma_start3A_74 : memref<1x128xi32, #tpu.memory_space<vmem>> -> memref<128xi32, #tpu.memory_space<vmem>>
          %dma_start3A_76 = arith.constant 0 : i32
          %dma_start3A_77 = arith.constant 0 : i32
          %dma_start3A_78 = tpu.memref_slice %arg10[%dma_start3A_76, %dma_start3A_77] : memref<10240x128xf32, #tpu.memory_space<vmem_shared>> -> memref<10240x128xf32, #tpu.memory_space<vmem_shared>>
          tpu.enqueue_indirect_dma source(%arg9 : memref<128x128xf32, #tpu.memory_space<vmem>>) target(%dma_start3A_78 : memref<10240x128xf32, #tpu.memory_space<vmem_shared>>) offsets(%dma_start3A_75 : memref<128xi32, #tpu.memory_space<vmem>>) semaphore(%run_scoped3A : memref<!tpu.dma_semaphore, #tpu.memory_space<semaphore_mem>>) {add = true}
          %dma_wait3A_79 = arith.constant 0 : i32
          %dma_wait3A_80 = tpu.memref_slice %arg7[%add3A_65, %dma_wait3A_79] : memref<40x128xi32, #tpu.memory_space<vmem>> -> memref<1x128xi32, #tpu.memory_space<vmem>>
          %dma_wait3A_81 = tpu.memref_squeeze %dma_wait3A_80 : memref<1x128xi32, #tpu.memory_space<vmem>> -> memref<128xi32, #tpu.memory_space<vmem>>
          %dma_wait3A_82 = arith.constant 0 : i32
          %dma_wait3A_83 = arith.constant 0 : i32
          %dma_wait3A_84 = tpu.memref_slice %arg10[%dma_wait3A_82, %dma_wait3A_83] : memref<10240x128xf32, #tpu.memory_space<vmem_shared>> -> memref<10240x128xf32, #tpu.memory_space<vmem_shared>>
          tpu.wait_indirect_dma semaphore(%run_scoped3A : memref<!tpu.dma_semaphore, #tpu.memory_space<semaphore_mem>>) src(%arg9 : memref<128x128xf32, #tpu.memory_space<vmem>>) dst(%dma_wait3A_84 : memref<10240x128xf32, #tpu.memory_space<vmem_shared>>)
          tpu.yield
        }) : () -> ()
        %add3A_66 = arith.constant 3 : i32
        %add3A_67 = arith.addi %mul3A_46, %add3A_66 : i32
        %lt3A_68 = arith.constant 40 : i32
        %lt3A_69 = arith.cmpi slt, %add3A_67, %lt3A_68 : i32
        %convert_element_type3A_70 = arith.extui %lt3A_69 : i1 to i32
        %cond3A_71 = arith.constant 0 : i32
        %cond3A_72 = arith.cmpi ne, %convert_element_type3A_70, %cond3A_71 : i32
        scf.if %cond3A_72 {
          %add3A_73 = arith.constant 3 : i32
          %add3A_74 = arith.addi %mul3A_46, %add3A_73 : i32
          %dma_start3A_75 = arith.constant 0 : i32
          %dma_start3A_76 = tpu.memref_slice %arg6[%add3A_74, %dma_start3A_75] : memref<40x128xi32, #tpu.memory_space<vmem>> -> memref<1x128xi32, #tpu.memory_space<vmem>>
          %dma_start3A_77 = tpu.memref_squeeze %dma_start3A_76 : memref<1x128xi32, #tpu.memory_space<vmem>> -> memref<128xi32, #tpu.memory_space<vmem>>
          %dma_start3A_78 = arith.constant 0 : i32
          %dma_start3A_79 = arith.constant 0 : i32
          %dma_start3A_80 = tpu.memref_slice %arg2[%dma_start3A_78, %dma_start3A_79] : memref<10000x128xf32, #tpu.memory_space<hbm>> -> memref<10000x128xf32, #tpu.memory_space<hbm>>
          tpu.enqueue_indirect_dma source(%dma_start3A_80 : memref<10000x128xf32, #tpu.memory_space<hbm>>) target(%arg9 : memref<128x128xf32, #tpu.memory_space<vmem>>) offsets(%dma_start3A_77 : memref<128xi32, #tpu.memory_space<vmem>>) semaphore(%arg12 : memref<!tpu.dma_semaphore, #tpu.memory_space<semaphore_mem>>)
        } else {
        }
      }
      %scan3A_43 = arith.constant 20 : i32
    }
    %scan3A_19 = arith.constant 2 : i32
    %barrier3A_20 = arith.constant 0 : index
    tpu.barrier barrier_id(%barrier3A_20)
    "tpu.region"() ({
      %run_scoped3A = tpu.sem_alloc : memref<!tpu.dma_semaphore, #tpu.memory_space<semaphore_mem>>
      %dma_start3A = arith.constant 0 : i32
      %dma_start3A_21 = tpu.memref_slice %arg5[%arg0, %mul3A_2, %dma_start3A] : memref<2x10240x128xf32, #tpu.memory_space<hbm>> -> memref<1x640x128xf32, #tpu.memory_space<hbm>>
      %dma_start3A_22 = tpu.memref_squeeze %dma_start3A_21 : memref<1x640x128xf32, #tpu.memory_space<hbm>> -> memref<640x128xf32, #tpu.memory_space<hbm>>
      %dma_start3A_23 = arith.constant 0 : i32
      %dma_start3A_24 = tpu.memref_slice %arg10[%mul3A_2, %dma_start3A_23] : memref<10240x128xf32, #tpu.memory_space<vmem_shared>> -> memref<640x128xf32, #tpu.memory_space<vmem_shared>>
      tpu.enqueue_dma source(%dma_start3A_24 : memref<640x128xf32, #tpu.memory_space<vmem_shared>>) target(%dma_start3A_22 : memref<640x128xf32, #tpu.memory_space<hbm>>) target_semaphore(%run_scoped3A : memref<!tpu.dma_semaphore, #tpu.memory_space<semaphore_mem>>)
      %dma_wait3A = arith.constant 0 : i32
      %dma_wait3A_25 = tpu.memref_slice %arg5[%arg0, %mul3A_2, %dma_wait3A] : memref<2x10240x128xf32, #tpu.memory_space<hbm>> -> memref<1x640x128xf32, #tpu.memory_space<hbm>>
      %dma_wait3A_26 = tpu.memref_squeeze %dma_wait3A_25 : memref<1x640x128xf32, #tpu.memory_space<hbm>> -> memref<640x128xf32, #tpu.memory_space<hbm>>
      %dma_wait3A_27 = arith.constant 0 : i32
      %dma_wait3A_28 = tpu.memref_slice %arg10[%mul3A_2, %dma_wait3A_27] : memref<10240x128xf32, #tpu.memory_space<vmem_shared>> -> memref<640x128xf32, #tpu.memory_space<vmem_shared>>
      tpu.wait_dma2 semaphore(%run_scoped3A : memref<!tpu.dma_semaphore, #tpu.memory_space<semaphore_mem>>) src(%dma_wait3A_28 : memref<640x128xf32, #tpu.memory_space<vmem_shared>>) dst(%dma_wait3A_26 : memref<640x128xf32, #tpu.memory_space<hbm>>)
      tpu.yield
    }) : () -> ()
    return
  }
}

module attributes {stable_mosaic.version = 14 : i64} {
  func.func @body(%arg0: i32, %arg1: memref<2x2000x16xf32, #tpu.memory_space<vmem>>, %arg2: memref<2000x128xf32, #tpu.memory_space<vmem>>, %arg3: memref<128x128xf32, #tpu.memory_space<vmem>>, %arg4: memref<2000x128xf32, #tpu.memory_space<vmem>>, %arg5: memref<2000x8xf32, #tpu.memory_space<vmem>>) attributes {dimension_semantics = [#tpu.dimension_semantics<arbitrary>], iteration_bounds = array<i64: 5>, scalar_prefetch = 0 : i64, scratch_operands = 0 : i64, tpu.core_type = #tpu.core_type<tc>, window_params = [{transform_indices = @transform_0, window_bounds = array<i64: 2, 2000, 16>}, {transform_indices = @transform_1, window_bounds = array<i64: 2000, 128>}, {pipeline_mode = #tpu.pipeline_mode<synchronous>, transform_indices = @transform_2, window_bounds = array<i64: 128, 128>}, {transform_indices = @transform_3, window_bounds = array<i64: 2000, 128>}, {transform_indices = @transform_4, window_bounds = array<i64: 2000, 8>}]} {
    %get3A = arith.constant 0 : index
    %get3A_0 = arith.constant 0 : index
    %get3A_1 = arith.constant 0 : index
    %get3A_2 = vector.load %arg1[%get3A, %get3A_0, %get3A_1] : memref<2x2000x16xf32, #tpu.memory_space<vmem>>, vector<1x2000x1xf32>
    %get3A_3 = vector.shape_cast %get3A_2 : vector<1x2000x1xf32> to vector<2000x1xf32>
    %get3A_4 = arith.constant 1 : index
    %get3A_5 = arith.constant 0 : index
    %get3A_6 = arith.constant 0 : index
    %get3A_7 = vector.load %arg1[%get3A_4, %get3A_5, %get3A_6] : memref<2x2000x16xf32, #tpu.memory_space<vmem>>, vector<1x2000x1xf32>
    %get3A_8 = vector.shape_cast %get3A_7 : vector<1x2000x1xf32> to vector<2000x1xf32>
    %add3A = arith.addf %get3A_3, %get3A_8 : vector<2000x1xf32>
    %add3A_9 = arith.constant 1.000000e+00 : f32
    %add3A_10 = vector.broadcast %add3A_9 : f32 to vector<2000x1xf32>
    %add3A_11 = arith.addf %add3A, %add3A_10 : vector<2000x1xf32>
    %rsqrt3A = math.rsqrt %add3A_11 : vector<2000x1xf32>
    %broadcast_in_dim3A = vector.shape_cast %rsqrt3A : vector<2000x1xf32> to vector<2000x1xf32>
    %broadcast_in_dim3A_12 = vector.broadcast %broadcast_in_dim3A : vector<2000x1xf32> to vector<2000x8xf32>
    %swap3A = arith.constant 0 : index
    %swap3A_13 = arith.constant 0 : index
    %swap3A_14 = vector.load %arg5[%swap3A, %swap3A_13] : memref<2000x8xf32, #tpu.memory_space<vmem>>, vector<2000x8xf32>
    tpu.vector_store %arg5[%swap3A, %swap3A_13], %broadcast_in_dim3A_12 {strides = array<i32>} : memref<2000x8xf32, #tpu.memory_space<vmem>>, vector<2000x8xf32>,
    %get3A_15 = arith.constant 0 : index
    %get3A_16 = arith.constant 0 : index
    %get3A_17 = vector.load %arg2[%get3A_15, %get3A_16] : memref<2000x128xf32, #tpu.memory_space<vmem>>, vector<2000x128xf32>
    %get3A_18 = arith.constant 0 : index
    %get3A_19 = arith.constant 0 : index
    %get3A_20 = vector.load %arg3[%get3A_18, %get3A_19] : memref<128x128xf32, #tpu.memory_space<vmem>>, vector<128x128xf32>
    %dot_general3A = arith.constant dense<0.000000e+00> : vector<2000x128xf32>
    %dot_general3A_21 = tpu.matmul %get3A_17, %get3A_20, %dot_general3A {dimension_numbers = #tpu.dot_dimension_numbers<[1], [0], [0], [1], [0, 0, 1, 1], [], []>, transpose_lhs_hint = false} : vector<2000x128xf32>, vector<128x128xf32>, vector<2000x128xf32> -> vector<2000x128xf32>
    %mul3A = vector.broadcast %rsqrt3A : vector<2000x1xf32> to vector<2000x128xf32>
    %mul3A_22 = arith.mulf %mul3A, %dot_general3A_21 : vector<2000x128xf32>
    %swap3A_23 = arith.constant 0 : index
    %swap3A_24 = arith.constant 0 : index
    %swap3A_25 = vector.load %arg4[%swap3A_23, %swap3A_24] : memref<2000x128xf32, #tpu.memory_space<vmem>>, vector<2000x128xf32>
    tpu.vector_store %arg4[%swap3A_23, %swap3A_24], %mul3A_22 {strides = array<i32>} : memref<2000x128xf32, #tpu.memory_space<vmem>>, vector<2000x128xf32>,
    return
  }
  func.func @transform_0(%arg0: i32) -> (i32, i32, i32) {
    %c0_i32 = arith.constant 0 : i32
    %c0_i32_0 = arith.constant 0 : i32
    %c0_i32_1 = arith.constant 0 : i32
    return %c0_i32, %arg0, %c0_i32_0 : i32, i32, i32
  }
  func.func @transform_1(%arg0: i32) -> (i32, i32) {
    %c0_i32 = arith.constant 0 : i32
    %c0_i32_0 = arith.constant 0 : i32
    return %arg0, %c0_i32 : i32, i32
  }
  func.func @transform_2(%arg0: i32) -> (i32, i32) {
    %c0_i32 = arith.constant 0 : i32
    %c0_i32_0 = arith.constant 0 : i32
    %c0_i32_1 = arith.constant 0 : i32
    return %c0_i32, %c0_i32_0 : i32, i32
  }
  func.func @transform_3(%arg0: i32) -> (i32, i32) {
    %c0_i32 = arith.constant 0 : i32
    %c0_i32_0 = arith.constant 0 : i32
    return %arg0, %c0_i32 : i32, i32
  }
  func.func @transform_4(%arg0: i32) -> (i32, i32) {
    %c0_i32 = arith.constant 0 : i32
    %c0_i32_0 = arith.constant 0 : i32
    return %arg0, %c0_i32 : i32, i32
  }
}

module attributes {stable_mosaic.version = 14 : i64} {
  func.func @body(%arg0: i32, %arg1: memref<2000x8xf32, #tpu.memory_space<vmem>>, %arg2: memref<2x2000x128xf32, #tpu.memory_space<vmem>>, %arg3: memref<2000x128xf32, #tpu.memory_space<vmem>>, %arg4: memref<1x128xf32, #tpu.memory_space<vmem>>, %arg5: memref<128x64xf32, #tpu.memory_space<vmem>>, %arg6: memref<2000x64xf32, #tpu.memory_space<vmem>>) attributes {dimension_semantics = [#tpu.dimension_semantics<arbitrary>], iteration_bounds = array<i64: 5>, scalar_prefetch = 0 : i64, scratch_operands = 0 : i64, tpu.core_type = #tpu.core_type<tc>, window_params = [{transform_indices = @transform_0, window_bounds = array<i64: 2000, 8>}, {transform_indices = @transform_1, window_bounds = array<i64: 2, 2000, 128>}, {transform_indices = @transform_2, window_bounds = array<i64: 2000, 128>}, {pipeline_mode = #tpu.pipeline_mode<synchronous>, transform_indices = @transform_3, window_bounds = array<i64: 1, 128>}, {pipeline_mode = #tpu.pipeline_mode<synchronous>, transform_indices = @transform_4, window_bounds = array<i64: 128, 64>}, {transform_indices = @transform_5, window_bounds = array<i64: 2000, 64>}]} {
    %get3A = arith.constant 0 : index
    %get3A_0 = arith.constant 0 : index
    %get3A_1 = vector.load %arg1[%get3A, %get3A_0] : memref<2000x8xf32, #tpu.memory_space<vmem>>, vector<2000x1xf32>
    %get3A_2 = arith.constant 0 : index
    %get3A_3 = arith.constant 0 : index
    %get3A_4 = arith.constant 0 : index
    %get3A_5 = vector.load %arg2[%get3A_2, %get3A_3, %get3A_4] : memref<2x2000x128xf32, #tpu.memory_space<vmem>>, vector<1x2000x128xf32>
    %get3A_6 = vector.shape_cast %get3A_5 : vector<1x2000x128xf32> to vector<2000x128xf32>
    %get3A_7 = arith.constant 1 : index
    %get3A_8 = arith.constant 0 : index
    %get3A_9 = arith.constant 0 : index
    %get3A_10 = vector.load %arg2[%get3A_7, %get3A_8, %get3A_9] : memref<2x2000x128xf32, #tpu.memory_space<vmem>>, vector<1x2000x128xf32>
    %get3A_11 = vector.shape_cast %get3A_10 : vector<1x2000x128xf32> to vector<2000x128xf32>
    %add3A = arith.addf %get3A_6, %get3A_11 : vector<2000x128xf32>
    %get3A_12 = arith.constant 0 : index
    %get3A_13 = arith.constant 0 : index
    %get3A_14 = vector.load %arg3[%get3A_12, %get3A_13] : memref<2000x128xf32, #tpu.memory_space<vmem>>, vector<2000x128xf32>
    %add3A_15 = arith.addf %add3A, %get3A_14 : vector<2000x128xf32>
    %mul3A = vector.broadcast %get3A_1 : vector<2000x1xf32> to vector<2000x128xf32>
    %mul3A_16 = arith.mulf %add3A_15, %mul3A : vector<2000x128xf32>
    %get3A_17 = arith.constant 0 : index
    %get3A_18 = arith.constant 0 : index
    %get3A_19 = vector.load %arg4[%get3A_17, %get3A_18] : memref<1x128xf32, #tpu.memory_space<vmem>>, vector<1x128xf32>
    %add3A_20 = vector.broadcast %get3A_19 : vector<1x128xf32> to vector<2000x128xf32>
    %add3A_21 = arith.addf %mul3A_16, %add3A_20 : vector<2000x128xf32>
    %max3A = arith.constant 0.000000e+00 : f32
    %max3A_22 = vector.broadcast %max3A : f32 to vector<2000x128xf32>
    %max3A_23 = arith.maximumf %add3A_21, %max3A_22 : vector<2000x128xf32>
    %get3A_24 = arith.constant 0 : index
    %get3A_25 = arith.constant 0 : index
    %get3A_26 = vector.load %arg5[%get3A_24, %get3A_25] : memref<128x64xf32, #tpu.memory_space<vmem>>, vector<128x64xf32>
    %dot_general3A = arith.constant dense<0.000000e+00> : vector<2000x64xf32>
    %dot_general3A_27 = tpu.matmul %max3A_23, %get3A_26, %dot_general3A {dimension_numbers = #tpu.dot_dimension_numbers<[1], [0], [0], [1], [0, 0, 1, 1], [], []>, transpose_lhs_hint = false} : vector<2000x128xf32>, vector<128x64xf32>, vector<2000x64xf32> -> vector<2000x64xf32>
    %mul3A_28 = vector.broadcast %get3A_1 : vector<2000x1xf32> to vector<2000x64xf32>
    %mul3A_29 = arith.mulf %mul3A_28, %dot_general3A_27 : vector<2000x64xf32>
    %swap3A = arith.constant 0 : index
    %swap3A_30 = arith.constant 0 : index
    %swap3A_31 = vector.load %arg6[%swap3A, %swap3A_30] : memref<2000x64xf32, #tpu.memory_space<vmem>>, vector<2000x64xf32>
    tpu.vector_store %arg6[%swap3A, %swap3A_30], %mul3A_29 {strides = array<i32>} : memref<2000x64xf32, #tpu.memory_space<vmem>>, vector<2000x64xf32>,
    return
  }
  func.func @transform_0(%arg0: i32) -> (i32, i32) {
    %c0_i32 = arith.constant 0 : i32
    %c0_i32_0 = arith.constant 0 : i32
    return %arg0, %c0_i32 : i32, i32
  }
  func.func @transform_1(%arg0: i32) -> (i32, i32, i32) {
    %c0_i32 = arith.constant 0 : i32
    %c0_i32_0 = arith.constant 0 : i32
    %c0_i32_1 = arith.constant 0 : i32
    return %c0_i32, %arg0, %c0_i32_0 : i32, i32, i32
  }
  func.func @transform_2(%arg0: i32) -> (i32, i32) {
    %c0_i32 = arith.constant 0 : i32
    %c0_i32_0 = arith.constant 0 : i32
    return %arg0, %c0_i32 : i32, i32
  }
  func.func @transform_3(%arg0: i32) -> (i32, i32) {
    %c0_i32 = arith.constant 0 : i32
    %c0_i32_0 = arith.constant 0 : i32
    %c0_i32_1 = arith.constant 0 : i32
    return %c0_i32, %c0_i32_0 : i32, i32
  }
  func.func @transform_4(%arg0: i32) -> (i32, i32) {
    %c0_i32 = arith.constant 0 : i32
    %c0_i32_0 = arith.constant 0 : i32
    %c0_i32_1 = arith.constant 0 : i32
    return %c0_i32, %c0_i32_0 : i32, i32
  }
  func.func @transform_5(%arg0: i32) -> (i32, i32) {
    %c0_i32 = arith.constant 0 : i32
    %c0_i32_0 = arith.constant 0 : i32
    return %arg0, %c0_i32 : i32, i32
  }
}

module attributes {stable_mosaic.version = 14 : i64} {
  func.func @body(%arg0: i32, %arg1: memref<2000x8xf32, #tpu.memory_space<vmem>>, %arg2: memref<2x2000x64xf32, #tpu.memory_space<vmem>>, %arg3: memref<2000x64xf32, #tpu.memory_space<vmem>>, %arg4: memref<1x64xf32, #tpu.memory_space<vmem>>, %arg5: memref<2000x64xf32, #tpu.memory_space<vmem>>) attributes {dimension_semantics = [#tpu.dimension_semantics<arbitrary>], iteration_bounds = array<i64: 5>, scalar_prefetch = 0 : i64, scratch_operands = 0 : i64, tpu.core_type = #tpu.core_type<tc>, window_params = [{transform_indices = @transform_0, window_bounds = array<i64: 2000, 8>}, {transform_indices = @transform_1, window_bounds = array<i64: 2, 2000, 64>}, {transform_indices = @transform_2, window_bounds = array<i64: 2000, 64>}, {pipeline_mode = #tpu.pipeline_mode<synchronous>, transform_indices = @transform_3, window_bounds = array<i64: 1, 64>}, {transform_indices = @transform_4, window_bounds = array<i64: 2000, 64>}]} {
    %get3A = arith.constant 0 : index
    %get3A_0 = arith.constant 0 : index
    %get3A_1 = vector.load %arg1[%get3A, %get3A_0] : memref<2000x8xf32, #tpu.memory_space<vmem>>, vector<2000x1xf32>
    %get3A_2 = arith.constant 0 : index
    %get3A_3 = arith.constant 0 : index
    %get3A_4 = arith.constant 0 : index
    %get3A_5 = vector.load %arg2[%get3A_2, %get3A_3, %get3A_4] : memref<2x2000x64xf32, #tpu.memory_space<vmem>>, vector<1x2000x64xf32>
    %get3A_6 = vector.shape_cast %get3A_5 : vector<1x2000x64xf32> to vector<2000x64xf32>
    %get3A_7 = arith.constant 1 : index
    %get3A_8 = arith.constant 0 : index
    %get3A_9 = arith.constant 0 : index
    %get3A_10 = vector.load %arg2[%get3A_7, %get3A_8, %get3A_9] : memref<2x2000x64xf32, #tpu.memory_space<vmem>>, vector<1x2000x64xf32>
    %get3A_11 = vector.shape_cast %get3A_10 : vector<1x2000x64xf32> to vector<2000x64xf32>
    %add3A = arith.addf %get3A_6, %get3A_11 : vector<2000x64xf32>
    %get3A_12 = arith.constant 0 : index
    %get3A_13 = arith.constant 0 : index
    %get3A_14 = vector.load %arg3[%get3A_12, %get3A_13] : memref<2000x64xf32, #tpu.memory_space<vmem>>, vector<2000x64xf32>
    %add3A_15 = arith.addf %add3A, %get3A_14 : vector<2000x64xf32>
    %mul3A = vector.broadcast %get3A_1 : vector<2000x1xf32> to vector<2000x64xf32>
    %mul3A_16 = arith.mulf %add3A_15, %mul3A : vector<2000x64xf32>
    %get3A_17 = arith.constant 0 : index
    %get3A_18 = arith.constant 0 : index
    %get3A_19 = vector.load %arg4[%get3A_17, %get3A_18] : memref<1x64xf32, #tpu.memory_space<vmem>>, vector<1x64xf32>
    %add3A_20 = vector.broadcast %get3A_19 : vector<1x64xf32> to vector<2000x64xf32>
    %add3A_21 = arith.addf %mul3A_16, %add3A_20 : vector<2000x64xf32>
    %reduce_max3A = arith.constant dense<0xFF800000> : vector<2000xf32>
    %reduce_max3A_22 = vector.multi_reduction <maximumf>, %add3A_21, %reduce_max3A [1] : vector<2000x64xf32> to vector<2000xf32>
    %broadcast_in_dim3A = vector.shape_cast %reduce_max3A_22 : vector<2000xf32> to vector<2000x1xf32>
    %sub3A = vector.broadcast %broadcast_in_dim3A : vector<2000x1xf32> to vector<2000x64xf32>
    %sub3A_23 = arith.subf %add3A_21, %sub3A : vector<2000x64xf32>
    %exp3A = math.exp %sub3A_23 : vector<2000x64xf32>
    %reduce_sum3A = arith.constant dense<0.000000e+00> : vector<2000xf32>
    %reduce_sum3A_24 = vector.multi_reduction <add>, %exp3A, %reduce_sum3A [1] : vector<2000x64xf32> to vector<2000xf32>
    %broadcast_in_dim3A_25 = vector.shape_cast %reduce_sum3A_24 : vector<2000xf32> to vector<2000x1xf32>
    %log3A = math.log %broadcast_in_dim3A_25 : vector<2000x1xf32>
    %add3A_26 = arith.addf %log3A, %broadcast_in_dim3A : vector<2000x1xf32>
    %sub3A_27 = vector.broadcast %add3A_26 : vector<2000x1xf32> to vector<2000x64xf32>
    %sub3A_28 = arith.subf %add3A_21, %sub3A_27 : vector<2000x64xf32>
    %swap3A = arith.constant 0 : index
    %swap3A_29 = arith.constant 0 : index
    %swap3A_30 = vector.load %arg5[%swap3A, %swap3A_29] : memref<2000x64xf32, #tpu.memory_space<vmem>>, vector<2000x64xf32>
    tpu.vector_store %arg5[%swap3A, %swap3A_29], %sub3A_28 {strides = array<i32>} : memref<2000x64xf32, #tpu.memory_space<vmem>>, vector<2000x64xf32>,
    return
  }
  func.func @transform_0(%arg0: i32) -> (i32, i32) {
    %c0_i32 = arith.constant 0 : i32
    %c0_i32_0 = arith.constant 0 : i32
    return %arg0, %c0_i32 : i32, i32
  }
  func.func @transform_1(%arg0: i32) -> (i32, i32, i32) {
    %c0_i32 = arith.constant 0 : i32
    %c0_i32_0 = arith.constant 0 : i32
    %c0_i32_1 = arith.constant 0 : i32
    return %c0_i32, %arg0, %c0_i32_0 : i32, i32, i32
  }
  func.func @transform_2(%arg0: i32) -> (i32, i32) {
    %c0_i32 = arith.constant 0 : i32
    %c0_i32_0 = arith.constant 0 : i32
    return %arg0, %c0_i32 : i32, i32
  }
  func.func @transform_3(%arg0: i32) -> (i32, i32) {
    %c0_i32 = arith.constant 0 : i32
    %c0_i32_0 = arith.constant 0 : i32
    %c0_i32_1 = arith.constant 0 : i32
    return %c0_i32, %c0_i32_0 : i32, i32
  }
  func.func @transform_4(%arg0: i32) -> (i32, i32) {
    %c0_i32 = arith.constant 0 : i32
    %c0_i32_0 = arith.constant 0 : i32
    return %arg0, %c0_i32 : i32, i32
  }
}

</mosaic_0001>

<sc_bundles>
// kernel: kernel.11.cloned.1.call-start
scs
__scs_entry_jumppad:
0x0: {  	(pc) =	sbr.rel $0x88, $3  }
0x1: {  	(tag) =	ssettag $0x0;
	lr =	simm.s32 $0x1  }
0x2: {  	[smem:$0x3F9B] =	sst lr;
	_ =	strace $0xD0000000  }
0x3: {  	_ = 	snop  }
0x4: {  	_ = 	snop  }
0x5: {  	_ = 	snop  }
0x6: {  	_ = 	snop  }
0x7: {  	_ = 	snop  }
__scs_overlays_trampoline_lowered:
0x8: {  	[smem:$0x3FAA] =	sst s0  }
0x9: {  	[smem:$0x3FAB] =	sst s1  }
0xa: {  	[smem:$0x3FAC] =	sst s2  }
0xb: {  	[smem:$0x3FAD] =	sst s3  }
0xc: {  	[smem:$0x3FAE] =	sst s4  }
0xd: {  	[smem:$0x3FAF] =	sst s5  }
0xe: {  	[smem:$0x3FB0] =	sst s6  }
0xf: {  	[smem:$0x3FB1] =	sst s7  }
0x10: {  	[smem:$0x3FB2] =	sst s8  }
0x11: {  	[smem:$0x3FB3] =	sst s9;
	s0 =	simm.s32 @!p0 $0x0  }
0x12: {  	s1 =	sld [smem:$0x3F99];
	s0 =	simm.s32 @p0 $0x1  }
0x13: {  	[smem:$0x3FB4] =	sst s0;
	s0 =	simm.s32 @!p1 $0x0  }
0x14: {  	s2 =	sld [smem:$0x3F98];
	s0 =	simm.s32 @p1 $0x1  }
0x15: {  	[smem:$0x3FB5] =	sst s0;
	s0 =	simm.s32 @!p2 $0x0  }
0x16: {  	s3 =	sld [smem:$0x3FDB];
	s0 =	simm.s32 @p2 $0x1  }
0x17: {  	s4 =	simm.s32 $0x1BF5;
	[smem:$0x3FB7] =	sst s0  }
0x18: {  	s0 =	sld [smem:$0x3F9A];
	_ =	swait.ge [sflag:s4], $0x0  }
0x19: {  	s7 =	sld [smem:$0x3F9B]  }
0x1a: {  	s8 =	sadd.s32 $0xFFFFE003, lr  }
0x1b: {  	s9 =	sadd.s32 $0xFFFFFEF7, lr;
	s5 =	simm.s32 $0xFFFFFFFF;
	p2 =	slt.u32 s8, $0xFFFFF086  }
0x1c: {  	p1 =	slt.u32 s9, $0xF7A;
	s5 =	simm.s32 @!p2 $0x0  }
0x1d: {  	s5 =	simm.s32 @p1 $0x1;
	p0 =	seq.s32 s7, s2  }
0x1e: {  	s7 =	smul.u32 @!p0 $0xF7A, s2;
	p2 =	seq.s32 @!p0 s5, $0x0  }
0x1f: {  	s9 =	smul.u32 $0xF7A, s1;
	s8 =	simm.s32 @!p0 $0x1BF5;
	p2 =	por !p2, p0  }
0x20: {  	[sflag:s8] =	ssyncset.s32 @!p0 $0xFFFFF086;
	s6 =	sadd.s32 @!p0 s3, s7;
	s7 =	simm.s32 @!p0 $0x108  }
0x21: {  	s3 =	sadd.s32 s3, s9;
	s6 =	sadd.s32 @!p0 $0x88, s6;
	s7 =	simm.s32 @p2 $0x1082  }
0x22: {  	[simem:s7], [sflag:s8] =	dma.local @!p0 [hbm:s6], $0xF7A  }
0x23: {  	s9 =	sor.u32 $0xD0000000, s2;
	s6 =	simm.s32 $0x108;
	_ =	swait.ge @!p0 [sflag:s8], $0x0  }
0x24: {  	s3 =	sadd.s32 $0x88, s3;
	s6 =	simm.s32 @!p1 $0x1082;
	[sflag:s4] =	ssyncset.s32 $0xFFFFF086  }
0x25: {  	[simem:s6], [sflag:s4] =	dma.local [hbm:s3], $0xF7A  }
0x26: {  	[smem:$0x3F9B] =	sst s1;
	(tag) =	ssettag s2;
	_ =	strace s9  }
0x27: {  	s1 =	sld [smem:$0x3FAB]  }
0x28: {  	s2 =	sld [smem:$0x3FAC]  }
0x29: {  	s4 =	sld [smem:$0x3FAE]  }
0x2a: {  	p0 =	seq.s32 s5, $0x0;
	s5 =	sld [smem:$0x3FAF]  }
0x2b: {  	s6 =	sld [smem:$0x3FB0]  }
0x2c: {  	s7 =	sld [smem:$0x3FB1]  }
0x2d: {  	s3 =	simm.s32 $0x108;
	s8 =	sld [smem:$0x3FB2]  }
0x2e: {  	s3 =	simm.s32 @!p0 $0x1082;
	s9 =	sld [smem:$0x3FB3]  }
0x2f: {  	lr =	sadd.s32 s0, s3;
	s0 =	sld [smem:$0x3FAA]  }
0x30: {  	s3 =	sld [smem:$0x3FAD]  }
0x31: {  	[smem:$0x3FB6] =	sst s10  }
0x32: {  	s10 =	sld [smem:$0x3FB4];
	_ =	sdelay $0x3  }
0x33: {  	p0 =	seq.s32 s10, $0x1;
	s10 =	sld [smem:$0x3FB6];
	_ =	sdelay $0x3  }
0x34: {  	[smem:$0x3FB6] =	sst s10  }
0x35: {  	s10 =	sld [smem:$0x3FB5];
	_ =	sdelay $0x3  }
0x36: {  	p1 =	seq.s32 s10, $0x1;
	s10 =	sld [smem:$0x3FB6];
	_ =	sdelay $0x3  }
0x37: {  	[smem:$0x3FB6] =	sst s10  }
0x38: {  	s10 =	sld [smem:$0x3FB7]  }
0x39: {  	_ = 	snop;
	(pc) =	sbr.ind lr, $3  }
0x3a: {  	_ = 	snop  }
0x3b: {  	_ = 	snop  }
0x3c: {  	p2 =	seq.s32 s10, $0x1;
	s10 =	sld [smem:$0x3FB6]  }
0x3d: {  	_ =	shalt  }
0x3e: {  	_ =	shalt  }
0x3f: {  	_ =	shalt  }
0x40: {  	_ =	shalt  }
0x41: {  	_ =	shalt  }
0x42: {  	_ =	shalt  }
0x43: {  	_ =	shalt  }
0x44: {  	_ =	shalt  }
0x45: {  	_ =	shalt  }
0x46: {  	_ =	shalt  }
0x47: {  	_ =	shalt  }
0x48: {  	_ =	shalt  }
0x49: {  	_ =	shalt  }
0x4a: {  	_ =	shalt  }
0x4b: {  	_ =	shalt  }
0x4c: {  	_ =	shalt  }
0x4d: {  	_ =	shalt  }
0x4e: {  	_ =	shalt  }
0x4f: {  	_ =	shalt  }
0x50: {  	_ =	shalt  }
0x51: {  	_ =	shalt  }
0x52: {  	_ =	shalt  }
0x53: {  	_ =	shalt  }
0x54: {  	_ =	shalt  }
0x55: {  	_ =	shalt  }
0x56: {  	_ =	shalt  }
0x57: {  	_ =	shalt  }
0x58: {  	_ =	shalt  }
0x59: {  	_ =	shalt  }
0x5a: {  	_ =	shalt  }
0x5b: {  	_ =	shalt  }
0x5c: {  	_ =	shalt  }
0x5d: {  	_ =	shalt  }
0x5e: {  	_ =	shalt  }
0x5f: {  	_ =	shalt  }
0x60: {  	_ =	shalt  }
0x61: {  	_ =	shalt  }
0x62: {  	_ =	shalt  }
0x63: {  	_ =	shalt  }
0x64: {  	_ =	shalt  }
0x65: {  	_ =	shalt  }
0x66: {  	_ =	shalt  }
0x67: {  	_ =	shalt  }
0x68: {  	_ =	shalt  }
0x69: {  	_ =	shalt  }
0x6a: {  	_ =	shalt  }
0x6b: {  	_ =	shalt  }
0x6c: {  	_ =	shalt  }
0x6d: {  	_ =	shalt  }
0x6e: {  	_ =	shalt  }
0x6f: {  	_ =	shalt  }
0x70: {  	_ =	shalt  }
0x71: {  	_ =	shalt  }
0x72: {  	_ =	shalt  }
0x73: {  	_ =	shalt  }
0x74: {  	_ =	shalt  }
0x75: {  	_ =	shalt  }
0x76: {  	_ =	shalt  }
0x77: {  	_ =	shalt  }
0x78: {  	_ =	shalt  }
0x79: {  	_ =	shalt  }
0x7a: {  	_ =	shalt  }
0x7b: {  	_ =	shalt  }
0x7c: {  	_ =	shalt  }
0x7d: {  	_ =	shalt  }
0x7e: {  	_ =	shalt  }
0x7f: {  	_ =	shalt  }
0x80: {  	_ =	shalt  }
0x81: {  	_ =	shalt  }
0x82: {  	_ =	shalt  }
0x83: {  	_ =	shalt  }
0x84: {  	_ =	shalt  }
0x85: {  	_ =	shalt  }
0x86: {  	_ =	shalt  }
0x87: {  	_ =	shalt  }
.Lfunc_end0:
.L_simem_size_0:
called_computation.1_lowered:
.L_overlay_start_0:
0x88: {  	s2 =	sld [smem:$0x3FD9]  }
0x89: {  	s3 =	sld [smem:$0x3FFE];
	_ =	sdelay $0x1  }
0x8a: {  	s1 =	srdreg.scid  }
0x8b: {  	s0 =	sand.u32 $0x1, s1  }
0x8c: {  	s17 =	sshll.u32 s0, $0xA;
	s2 =	sadd.s32 s3, s2  }
0x8d: {  	s2 =	sadd.s32 s2, s17  }
0x8e: {  	[smem:$0x3FC2] =	sst s2  }
0x8f: {  	_ = 	snop  }
0x90: {  	s2 =	sld [smem:$0x3FD0];
	(tm) =	ssettm $0x1  }
0x91: {  	s18 =	sld [smem:$0x3FFB];
	_ =	sdelay $0x3  }
0x92: {  	_ =	strace s18  }
0x93: {  	s3 =	sld [smem:$0x3FFC];
	_ =	sdelay $0x3  }
0x94: {  	_ =	strace s3  }
0x95: {  	s3 =	sld [smem:$0x3FFD];
	_ =	sdelay $0x3  }
0x96: {  	_ =	strace s3  }
0x97: {  	_ =	strace $0x8FFFFFFF  }
0x98: {  	s19 =	sld [smem:$0x3FDB];
	_ =	sdelay $0x1  }
0x99: {  	s4 =	simm.s32 $_scs_section_size  }
0x9a: {  	s5 =	simm.s32 $_size__tile_overlayer_lowered;
	s6 =	simm.s32 $_tile_overlayer_lowered  }
0x9b: {  	s22 =	simm.s32 $0x1BFF;
	s21 =	sshll.u32 s6, $0x1;
	s3 =	sadd.s32 s4, s19  }
0x9c: {  	s7 =	simm.s32 $0x0;
	s20 =	sshll.u32 s5, $0x1;
	s5 =	sadd.s32 s21, s3  }
0x9d: {  	[timem:s7], [sflag:s22] =	dma.local [hbm:s5], s20  }
0x9e: {  	_ =	swait.ge [sflag:s22], s20  }
0x9f: {  	s4 =	ssub.s32 $0x0, s20;
	[sflag:s22] =	ssyncset.done $0x0  }
0xa0: {  	[sflag:s22] =	ssyncadd.s32 s4;
	_ =	sdelay $0x1  }
0xa1: {  	s23 =	simm.s32 $0x1B8B  }
0xa2: {  	_ =	swait.ge [sflag:s23], $0x1  }
0xa3: {  	[sflag:s23] =	ssyncset.done $0x0  }
0xa4: {  	s25 =	simm.s32 $0x1B8E;
	s24 =	sld [smem:$0x3FFE];
	[sflag:s23] =	ssyncadd.s32 $0xFFFFFFFF  }
0xa5: {  	s26 =	simm.s32 $execute0_lowered;
	[smem:$0x3FD2] =	sst s25  }
0xa6: {  	s5 =	sshll.u32 s26, $0x1;
	_ =	strace $0x80000049;
	[dreg:$0x1] =	wrdreg $0xFFFFFFFF  }
0xa7: {  	s28 =	simm.s32 $_size_execute0_lowered;
	s3 =	sadd.s32 s3, s5;
	[dreg:$0x0] =	wrdreg $0x0  }
0xa8: {  	s5 =	sshll.u32 s28, $0x1;
	[dreg:$0x2] =	wrdreg s3  }
0xa9: {  	[dreg:$0x3] =	wrdreg s5  }
0xaa: {  	[dreg:$0x4] =	wrdreg $0xC0  }
0xab: {  	_ =	task [dreg:s7], $0x5FFFF  }
0xac: {  	[dreg:$0x1] =	wrdreg $0xFFFFFFFF  }
0xad: {  	[dreg:$0x0] =	wrdreg $0x60  }
0xae: {  	[dreg:$0x2] =	wrdreg s24  }
0xaf: {  	[dreg:$0x3] =	wrdreg s2  }
0xb0: {  	[dreg:$0x4] =	wrdreg $0xA8000  }
0xb1: {  	[dreg:$0x5] =	wrdreg $0x9  }
0xb2: {  	_ =	task.clear_ibuf [dreg:s7], $0x6FFFF;
	_ =	strace $0x90000049  }
0xb3: {  	s29 =	simm.s32 $0x9;
	_ =	strace $0x8000004B  }
0xb4: {  	_ =	swait.ge [sflag:s29], $0x1  }
0xb5: {  	[sflag:s29] =	ssyncadd.s32 $0xFFFFFFFF  }
0xb6: {  	_ =	strace $0x9000004B  }
0xb7: {  	_ =	sfence  }
0xb8: {  	s30 =	sld [smem:$0x0];
	_ =	sdelay $0x2  }
0xb9: {  	s31 =	sshll.u32 s1, $0xD;
	s1 =	sshrl.u32 s1, $0x2  }
0xba: {  	s3 =	sand.u32 $0x4000, s31;
	s1 =	sadd.s32 s1, s30  }
0xbb: {  	s0 =	sor.u32 s3, s0;
	s1 =	sshll.u32 s1, $0x11  }
0xbc: {  	s0 =	sor.u32 s1, s0  }
0xbd: {  	s0 =	sadd.s32 $0x8F2B, s0  }
0xbe: {  	[sflag:s0] =	ssyncadd.remote.s32 $0x1  }
0xbf: {  	_ =	sfence.sel $0xFFFF  }
0xc0: {  	[dreg:$0x0] =	wrdreg $0xFFFFFFFF;
	(pc) =	sbr.abs _section_cstart, $3  }
0xc1: {  	[dreg:$0x1] =	wrdreg $0xFFFFFFFF  }
0xc2: {  	_ =	task.clear_ibuf [dreg:s7], $0x2FFFF;
	_ =	strace $0x9FFFFFFF  }
0xc3: {  	(tm) =	ssettm $0x7FFFFFFF  }
tec
execute0_lowered:
.L_overlay_start_1:
0x0: {  	(tag) =	ssettag $0x1  }
0x1: {  	s5 =	rddreg [dreg:$0x0]  }
0x2: {  	s14 =	rddreg [dreg:$0x1];
	s0 =	srdreg.scid  }
0x3: {  	s2 =	rddreg [dreg:$0x2];
	s1 =	stileid.u32  }
0x4: {  	s3 =	simm.s32 $0x0;
	s17 =	simm.s32 $0x3;
	s18 =	simm.s32 $0x1400  }
0x5: {  	s19 =	simm.s32 $0x80;
	s20 =	simm.s32 $0x6800;
	s21 =	simm.s32 $0x1  }
0x6: {  	s22 =	simm.s32 $0x2;
	s23 =	simm.s32 $0x2700;
	s24 =	simm.s32 $0x2780  }
0x7: {  	s6 =	sand.u32 $0x1, s0;
	s0 =	rddreg [dreg:$0x3];
	s8 =	smul.u32 $0x14000, s1  }
0x8: {  	[smem:$0x7FF] =	sst s3;
	s4 =	sadd.s32 $0x1FE00, s5;
	s15 =	sadd.s32 $0x15E00, s5  }
0x9: {  	s7 =	smul.u32 $0x140000, s6;
	s31 =	ssub.s32 $0x2, s6;
	s6 =	sshll.u32 s6, $0x4  }
0xa: {  	s30 =	smul.u32 $0x50000, s1;
	_ =	strace $0x8000004A;
	s6 =	sor.u32 s1, s6  }
0xb: {  	s9 =	sshrl.u32 s31, $0x1;
	s7 =	sadd.s32 s8, s7;
	s11 =	smul.u32 $0x2800, s6  }
0xc: {  	s8 =	sshrl.u32 s30, $0x2;
	s9 =	ssub.s32 s31, s9;
	s7 =	sshrl.u32 s7, $0x3  }
0xd: {  	s7 =	sadd.s32 s7, s5;
	s5 =	sadd.s32 s8, s2;
	s13 =	sshrl.u32 s11, $0x3  }
0xe: {  	s6 =	sadd.s32 $0x47000, s7;
	s7 =	smax.u32 s9, $0x1;
	s8 =	sadd.s32 $0x4000, s5  }
0xf: {  	s9 =	sadd.s32 $0x8000, s5;
	s10 =	sadd.s32 $0xC000, s5;
	s11 =	sadd.s32 $0x10000, s5  }
0x10: {  	s12 =	sadd.s32 s14, s13;
	s16 =	sadd.s32 $0x280, s13;
	s13 =	sadd.s32 s15, s13  }
0x11: {  	v0 =	vimm.f32 $0.0e+00;
	s14 =	sadd.s32 s14, s16;
	s15 =	sadd.s32 s15, s16;
	s16 =	simm.s32 $0x2800  }
.LBB2_1:
0x12: {  	s25 =	simm.s32 $0x0;
	s26 =	simm.s32 $0x200  }
.LBB2_2:
0x13: {  	p0 =	sne.s32 s26, $0xFE00;
	[tilespmem:s25+$0x2870] =	vst v0  }
0x14: {  	[tilespmem:s25+$0x2800] =	vst v0  }
0x15: {  	[tilespmem:s25+$0x2810] =	vst v0  }
.Ltmp0:
0x16: {  	[tilespmem:s25+$0x2820] =	vst v0;
	(pc) =	sbr.rel @p0 .LBB2_2-.Ltmp0, $4  }
0x17: {  	[tilespmem:s25+$0x2830] =	vst v0  }
0x18: {  	[tilespmem:s25+$0x2840] =	vst v0  }
0x19: {  	[tilespmem:s25+$0x2850] =	vst v0  }
0x1a: {  	[tilespmem:s25+$0x2860] =	vst v0;
	s25 =	sshra.s32 s26, $0x2;
	s26 =	sadd.s32 $0x200, s26  }
0x1b: {  	[tilespmem:s25+$0x2870] =	vst v0  }
0x1c: {  	[tilespmem:s25+$0x2800] =	vst v0  }
0x1d: {  	[tilespmem:s25+$0x2810] =	vst v0  }
0x1e: {  	[tilespmem:s25+$0x2820] =	vst v0  }
0x1f: {  	[tilespmem:s25+$0x2830] =	vst v0  }
0x20: {  	[tilespmem:s25+$0x2840] =	vst v0  }
0x21: {  	[tilespmem:s25+$0x2850] =	vst v0  }
0x22: {  	[tilespmem:s25+$0x2860] =	vst v0  }
0x23: {  	[spmem:s5] =	stream.linear.scatter [tilespmem:s16], [sflag:$0x3], $0x4000, $0x38;
	[tilespmem:$0x1E800] =	vst v63  }
0x24: {  	_ =	swait.ge [sflag:s17], $0x4000  }
0x25: {  	[sflag:s17] =	ssyncset.done $0x0  }
0x26: {  	[sflag:s17] =	ssyncadd.s32 $0xFFFFC000  }
0x27: {  	[spmem:s8] =	stream.linear.scatter [tilespmem:s16], [sflag:$0x3], $0x4000, $0x38;
	[tilespmem:$0x1E800] =	vst v63  }
0x28: {  	_ =	swait.ge [sflag:s17], $0x4000  }
0x29: {  	[sflag:s17] =	ssyncset.done $0x0  }
0x2a: {  	[sflag:s17] =	ssyncadd.s32 $0xFFFFC000  }
0x2b: {  	[spmem:s9] =	stream.linear.scatter [tilespmem:s16], [sflag:$0x3], $0x4000, $0x38;
	[tilespmem:$0x1E800] =	vst v63  }
0x2c: {  	_ =	swait.ge [sflag:s17], $0x4000  }
0x2d: {  	[sflag:s17] =	ssyncset.done $0x0  }
0x2e: {  	[sflag:s17] =	ssyncadd.s32 $0xFFFFC000  }
0x2f: {  	[spmem:s10] =	stream.linear.scatter [tilespmem:s16], [sflag:$0x3], $0x4000, $0x38;
	[tilespmem:$0x1E800] =	vst v63  }
0x30: {  	_ =	swait.ge [sflag:s17], $0x4000  }
0x31: {  	[sflag:s17] =	ssyncset.done $0x0  }
0x32: {  	[sflag:s17] =	ssyncadd.s32 $0xFFFFC000  }
0x33: {  	[spmem:s11] =	stream.linear.scatter [tilespmem:s16], [sflag:$0x3], $0x4000, $0x38;
	[tilespmem:$0x1E800] =	vst v63  }
0x34: {  	_ =	swait.ge [sflag:s17], $0x4000  }
0x35: {  	[sflag:s17] =	ssyncset.done $0x0  }
0x36: {  	[sflag:s17] =	ssyncadd.s32 $0xFFFFC000  }
0x37: {  	s28 =	simm.s32 $0x0;
	[bflag:$0x0] =	sbarrier.arrive $0xFFFF  }
0x38: {  	[tilespmem:s28], [sflag:$0x3] =	stream.linear.gather [hbm4b:s12+s28], $0x1400, $0x38;
	[tilespmem:$0x1E800] =	vst v63  }
0x39: {  	_ =	swait.ge [sflag:s17], $0x1400  }
0x3a: {  	[sflag:s17] =	ssyncset.done $0x0  }
0x3b: {  	[sflag:s17] =	ssyncadd.s32 $0xFFFFEC00  }
0x3c: {  	[tilespmem:s18], [sflag:$0x3] =	stream.linear.gather [hbm4b:s13+s28], $0x1400, $0x38;
	[tilespmem:$0x1E800] =	vst v63  }
0x3d: {  	_ =	swait.ge [sflag:s17], $0x1400  }
0x3e: {  	[sflag:s17] =	ssyncset.done $0x0  }
0x3f: {  	[sflag:s17] =	ssyncadd.s32 $0xFFFFEC00  }
0x40: {  	[tilespmem:s16], [sflag:$0x1] =	stream.indirect.gather [hbm4b:s4+s19], $0x80, s28, s19, $0xb8;
	[tilespmem:$0x1E800] =	vst v63  }
0x41: {  	_ = 	snop  }
0x42: {  	[tilespmem:s20], [sflag:$0x2] =	stream.indirect.gather [hbm4b:s4+s19], $0x80, s19, s19, $0xb8;
	[tilespmem:$0x1E800] =	vst v63  }
0x43: {  	_ =	swait.ge [sflag:s21], $0x4000  }
0x44: {  	[sflag:s21] =	ssyncset.done $0x0  }
0x45: {  	s29 =	simm.s32 $0x1400;
	[sflag:s21] =	ssyncadd.s32 $0xFFFFC000  }
0x46: {  	[spmem:s2] =	stream.indirect.scatter.add.f32 [tilespmem:s16], [sflag:$0x3], $0x80, s29, s19, $0xb8;
	[tilespmem:$0x1E800] =	vst v63  }
0x47: {  	_ =	swait.ge [sflag:s17], $0x4000  }
0x48: {  	[sflag:s17] =	ssyncset.done $0x0  }
0x49: {  	s30 =	simm.s32 $0x100;
	[sflag:s17] =	ssyncadd.s32 $0xFFFFC000  }
0x4a: {  	[tilespmem:s16], [sflag:$0x1] =	stream.indirect.gather [hbm4b:s4+s19], $0x80, s30, s19, $0xb8;
	[tilespmem:$0x1E800] =	vst v63  }
0x4b: {  	_ =	swait.ge [sflag:s22], $0x4000  }
0x4c: {  	[sflag:s22] =	ssyncset.done $0x0  }
0x4d: {  	s31 =	simm.s32 $0x1480;
	[sflag:s22] =	ssyncadd.s32 $0xFFFFC000  }
0x4e: {  	[spmem:s2] =	stream.indirect.scatter.add.f32 [tilespmem:s20], [sflag:$0x3], $0x80, s31, s19, $0xb8;
	[tilespmem:$0x1E800] =	vst v63  }
0x4f: {  	_ =	swait.ge [sflag:s17], $0x4000  }
0x50: {  	[sflag:s17] =	ssyncset.done $0x0  }
0x51: {  	s25 =	simm.s32 $0x400;
	s26 =	simm.s32 $0x180;
	[sflag:s17] =	ssyncadd.s32 $0xFFFFC000  }
.LBB2_4:
0x52: {  	[tilespmem:s20], [sflag:$0x2] =	stream.indirect.gather [hbm4b:s4+s19], $0x80, s26, s19, $0xb8;
	[tilespmem:$0x1E800] =	vst v63  }
0x53: {  	s26 =	smov.u32 s25  }
0x54: {  	p0 =	sne.s32 s25, $0x4800;
	s25 =	sadd.s32 $0x400, s25;
	_ =	swait.ge [sflag:s21], $0x4000  }
0x55: {  	s26 =	sshra.s32 s26, $0x2;
	[sflag:s21] =	ssyncset.done $0x0  }
0x56: {  	s28 =	sadd.s32 $0x1400, s26;
	[sflag:s21] =	ssyncadd.s32 $0xFFFFC000  }
0x57: {  	[spmem:s2] =	stream.indirect.scatter.add.f32 [tilespmem:s16], [sflag:$0x3], $0x80, s28, s19, $0xb8;
	[tilespmem:$0x1E800] =	vst v63  }
0x58: {  	_ =	swait.ge [sflag:s17], $0x4000  }
0x59: {  	[sflag:s17] =	ssyncset.done $0x0  }
0x5a: {  	s28 =	sadd.s32 $0x100, s26;
	[sflag:s17] =	ssyncadd.s32 $0xFFFFC000  }
0x5b: {  	[tilespmem:s16], [sflag:$0x1] =	stream.indirect.gather [hbm4b:s4+s19], $0x80, s28, s19, $0xb8;
	[tilespmem:$0x1E800] =	vst v63  }
0x5c: {  	_ =	swait.ge [sflag:s22], $0x4000  }
0x5d: {  	[sflag:s22] =	ssyncset.done $0x0  }
.Ltmp1:
0x5e: {  	s28 =	sadd.s32 $0x1480, s26;
	[sflag:s22] =	ssyncadd.s32 $0xFFFFC000;
	(pc) =	sbr.rel @p0 .LBB2_4-.Ltmp1, $4  }
0x5f: {  	[spmem:s2] =	stream.indirect.scatter.add.f32 [tilespmem:s20], [sflag:$0x3], $0x80, s28, s19, $0xb8;
	[tilespmem:$0x1E800] =	vst v63  }
0x60: {  	_ =	swait.ge [sflag:s17], $0x4000  }
0x61: {  	[sflag:s17] =	ssyncset.done $0x0  }
0x62: {  	s26 =	sadd.s32 $0x180, s26;
	[sflag:s17] =	ssyncadd.s32 $0xFFFFC000  }
0x63: {  	[tilespmem:s20], [sflag:$0x2] =	stream.indirect.gather [hbm4b:s4+s19], $0x80, s26, s19, $0xb8;
	[tilespmem:$0x1E800] =	vst v63  }
0x64: {  	_ =	swait.ge [sflag:s21], $0x4000  }
0x65: {  	[sflag:s21] =	ssyncset.done $0x0  }
0x66: {  	[sflag:s21] =	ssyncadd.s32 $0xFFFFC000  }
0x67: {  	[spmem:s2] =	stream.indirect.scatter.add.f32 [tilespmem:s16], [sflag:$0x3], $0x80, s23, s19, $0xb8;
	[tilespmem:$0x1E800] =	vst v63  }
0x68: {  	_ =	swait.ge [sflag:s17], $0x4000  }
0x69: {  	[sflag:s17] =	ssyncset.done $0x0  }
0x6a: {  	[sflag:s17] =	ssyncadd.s32 $0xFFFFC000  }
0x6b: {  	_ =	swait.ge [sflag:s22], $0x4000  }
0x6c: {  	[sflag:s22] =	ssyncset.done $0x0  }
0x6d: {  	[sflag:s22] =	ssyncadd.s32 $0xFFFFC000  }
0x6e: {  	[spmem:s2] =	stream.indirect.scatter.add.f32 [tilespmem:s20], [sflag:$0x3], $0x80, s24, s19, $0xb8;
	[tilespmem:$0x1E800] =	vst v63  }
0x6f: {  	_ =	swait.ge [sflag:s17], $0x4000  }
0x70: {  	[sflag:s17] =	ssyncset.done $0x0  }
0x71: {  	s25 =	simm.s32 $0x0;
	[sflag:s17] =	ssyncadd.s32 $0xFFFFC000  }
0x72: {  	[tilespmem:s25], [sflag:$0x3] =	stream.linear.gather [hbm4b:s14+s25], $0x1400, $0x38;
	[tilespmem:$0x1E800] =	vst v63  }
0x73: {  	_ =	swait.ge [sflag:s17], $0x1400  }
0x74: {  	[sflag:s17] =	ssyncset.done $0x0  }
0x75: {  	[sflag:s17] =	ssyncadd.s32 $0xFFFFEC00  }
0x76: {  	[tilespmem:s18], [sflag:$0x3] =	stream.linear.gather [hbm4b:s15+s25], $0x1400, $0x38;
	[tilespmem:$0x1E800] =	vst v63  }
0x77: {  	_ =	swait.ge [sflag:s17], $0x1400  }
0x78: {  	[sflag:s17] =	ssyncset.done $0x0  }
0x79: {  	[sflag:s17] =	ssyncadd.s32 $0xFFFFEC00  }
0x7a: {  	[tilespmem:s16], [sflag:$0x1] =	stream.indirect.gather [hbm4b:s4+s19], $0x80, s25, s19, $0xb8;
	[tilespmem:$0x1E800] =	vst v63  }
0x7b: {  	_ = 	snop  }
0x7c: {  	[tilespmem:s20], [sflag:$0x2] =	stream.indirect.gather [hbm4b:s4+s19], $0x80, s19, s19, $0xb8;
	[tilespmem:$0x1E800] =	vst v63  }
0x7d: {  	_ =	swait.ge [sflag:s21], $0x4000  }
0x7e: {  	[sflag:s21] =	ssyncset.done $0x0  }
0x7f: {  	s29 =	simm.s32 $0x1400;
	[sflag:s21] =	ssyncadd.s32 $0xFFFFC000  }
0x80: {  	[spmem:s2] =	stream.indirect.scatter.add.f32 [tilespmem:s16], [sflag:$0x3], $0x80, s29, s19, $0xb8;
	[tilespmem:$0x1E800] =	vst v63  }
0x81: {  	_ =	swait.ge [sflag:s17], $0x4000  }
0x82: {  	[sflag:s17] =	ssyncset.done $0x0  }
0x83: {  	s30 =	simm.s32 $0x100;
	[sflag:s17] =	ssyncadd.s32 $0xFFFFC000  }
0x84: {  	[tilespmem:s16], [sflag:$0x1] =	stream.indirect.gather [hbm4b:s4+s19], $0x80, s30, s19, $0xb8;
	[tilespmem:$0x1E800] =	vst v63  }
0x85: {  	_ =	swait.ge [sflag:s22], $0x4000  }
0x86: {  	[sflag:s22] =	ssyncset.done $0x0  }
0x87: {  	s31 =	simm.s32 $0x1480;
	[sflag:s22] =	ssyncadd.s32 $0xFFFFC000  }
0x88: {  	[spmem:s2] =	stream.indirect.scatter.add.f32 [tilespmem:s20], [sflag:$0x3], $0x80, s31, s19, $0xb8;
	[tilespmem:$0x1E800] =	vst v63  }
0x89: {  	_ =	swait.ge [sflag:s17], $0x4000  }
0x8a: {  	[sflag:s17] =	ssyncset.done $0x0  }
0x8b: {  	s26 =	simm.s32 $0x180;
	s25 =	simm.s32 $0x400;
	[sflag:s17] =	ssyncadd.s32 $0xFFFFC000  }
.LBB2_6:
0x8c: {  	[tilespmem:s20], [sflag:$0x2] =	stream.indirect.gather [hbm4b:s4+s19], $0x80, s26, s19, $0xb8;
	[tilespmem:$0x1E800] =	vst v63  }
0x8d: {  	s26 =	smov.u32 s25  }
0x8e: {  	p0 =	sne.s32 s25, $0x4800;
	s25 =	sadd.s32 $0x400, s25;
	_ =	swait.ge [sflag:s21], $0x4000  }
0x8f: {  	s26 =	sshra.s32 s26, $0x2;
	[sflag:s21] =	ssyncset.done $0x0  }
0x90: {  	s28 =	sadd.s32 $0x1400, s26;
	[sflag:s21] =	ssyncadd.s32 $0xFFFFC000  }
0x91: {  	[spmem:s2] =	stream.indirect.scatter.add.f32 [tilespmem:s16], [sflag:$0x3], $0x80, s28, s19, $0xb8;
	[tilespmem:$0x1E800] =	vst v63  }
0x92: {  	_ =	swait.ge [sflag:s17], $0x4000  }
0x93: {  	[sflag:s17] =	ssyncset.done $0x0  }
0x94: {  	s28 =	sadd.s32 $0x100, s26;
	[sflag:s17] =	ssyncadd.s32 $0xFFFFC000  }
0x95: {  	[tilespmem:s16], [sflag:$0x1] =	stream.indirect.gather [hbm4b:s4+s19], $0x80, s28, s19, $0xb8;
	[tilespmem:$0x1E800] =	vst v63  }
0x96: {  	_ =	swait.ge [sflag:s22], $0x4000  }
0x97: {  	[sflag:s22] =	ssyncset.done $0x0  }
.Ltmp2:
0x98: {  	s28 =	sadd.s32 $0x1480, s26;
	[sflag:s22] =	ssyncadd.s32 $0xFFFFC000;
	(pc) =	sbr.rel @p0 .LBB2_6-.Ltmp2, $4  }
0x99: {  	[spmem:s2] =	stream.indirect.scatter.add.f32 [tilespmem:s20], [sflag:$0x3], $0x80, s28, s19, $0xb8;
	[tilespmem:$0x1E800] =	vst v63  }
0x9a: {  	_ =	swait.ge [sflag:s17], $0x4000  }
0x9b: {  	[sflag:s17] =	ssyncset.done $0x0  }
0x9c: {  	s26 =	sadd.s32 $0x180, s26;
	[sflag:s17] =	ssyncadd.s32 $0xFFFFC000  }
0x9d: {  	[tilespmem:s20], [sflag:$0x2] =	stream.indirect.gather [hbm4b:s4+s19], $0x80, s26, s19, $0xb8;
	[tilespmem:$0x1E800] =	vst v63  }
0x9e: {  	_ =	swait.ge [sflag:s21], $0x4000  }
0x9f: {  	[sflag:s21] =	ssyncset.done $0x0  }
0xa0: {  	[sflag:s21] =	ssyncadd.s32 $0xFFFFC000  }
0xa1: {  	[spmem:s2] =	stream.indirect.scatter.add.f32 [tilespmem:s16], [sflag:$0x3], $0x80, s23, s19, $0xb8;
	[tilespmem:$0x1E800] =	vst v63  }
0xa2: {  	_ =	swait.ge [sflag:s17], $0x4000  }
0xa3: {  	[sflag:s17] =	ssyncset.done $0x0  }
0xa4: {  	[sflag:s17] =	ssyncadd.s32 $0xFFFFC000  }
0xa5: {  	_ =	swait.ge [sflag:s22], $0x4000  }
0xa6: {  	[sflag:s22] =	ssyncset.done $0x0  }
0xa7: {  	[sflag:s22] =	ssyncadd.s32 $0xFFFFC000  }
0xa8: {  	[spmem:s2] =	stream.indirect.scatter.add.f32 [tilespmem:s20], [sflag:$0x3], $0x80, s24, s19, $0xb8;
	[tilespmem:$0x1E800] =	vst v63  }
0xa9: {  	_ =	swait.ge [sflag:s17], $0x4000  }
0xaa: {  	s25 =	sshll.u32 s1, $0x6;
	s3 =	sadd.s32 $0x1, s3;
	[sflag:s17] =	ssyncset.done $0x0  }
0xab: {  	s31 =	sshrl.u32 s5, $0x3;
	p0 =	sne.s32 s3, s7;
	[sflag:s17] =	ssyncadd.s32 $0xFFFFC000  }
.Ltmp3:
0xac: {  	s25 =	sor.u32 $0x1C03, s25;
	[bflag:$0x0] =	sbarrier.arrive $0xFFFF;
	(pc) =	sbr.rel @p0 .LBB2_1-.Ltmp3, $4  }
0xad: {  	[hbm:s6], [sflag:s25] =	dma.local [spmem:s31], $0x2800  }
0xae: {  	_ =	swait.ge [sflag:s17], $0x2800  }
0xaf: {  	[sflag:s17] =	ssyncset.done $0x0  }
0xb0: {  	[sflag:s17] =	ssyncadd.s32 $0xFFFFD800  }
0xb1: {  	_ =	sfence.sel $0x180000  }
0xb2: {  	[bflag:$0x0] =	sbarrier.arrive $0xFFFF  }
0xb3: {  	p0 =	sne.s32 s1, $0x0;
	_ =	strace $0x9000004A  }
0xb4: {  	s0 =	sadd.s32 @!p0 $0x100000, s0;
	[bflag:$0x2] =	sbarrier.arrive $0xFFFF  }
0xb5: {  	[sflag:s0] =	ssyncadd.tile.s32 @!p0 $0x1;
	_ =	shalt  }
.Lfunc_end2:
_tile_overlayer_lowered:
.L_overlay_start_2:
0xb6: {  	(tag) =	ssettag $0x2  }
0xb7: {  	s0 =	rddreg [dreg:$0x0];
	s2 =	stileid.u32  }
0xb8: {  	s1 =	rddreg [dreg:$0x1];
	p0 =	sne.s32 s2, $0x0  }
0xb9: {  	s3 =	rddreg [dreg:$0x2];
	[bflag:$0x3] =	sbarrier.arrive $0xFFFF;
	s2 =	simm.s32 @!p0 $0x1C03  }
0xba: {  	[timem:s3], [sflag:s2] =	dma.local @!p0 [hbm:s0], s1  }
0xbb: {  	s0 =	simm.s32 @!p0 $0x3  }
0xbc: {  	_ =	swait.ge @!p0 [sflag:s0], s1  }
0xbd: {  	s1 =	ssub.s32 @!p0 $0x0, s1;
	[sflag:s0] =	ssyncset.done @!p0 $0x0  }
0xbe: {  	[sflag:s0] =	ssyncadd.s32 @!p0 s1  }
0xbf: {  	[bflag:$0x3] =	sbarrier.arrive $0xFFFF  }
0xc0: {  	_ =	shalt  }

// kernel: kernel.14.cloned.1.call-start
scs
__scs_entry_jumppad:
0x0: {  	(pc) =	sbr.rel $0x88, $3  }
0x1: {  	(tag) =	ssettag $0x0;
	lr =	simm.s32 $0x1  }
0x2: {  	[smem:$0x3F9B] =	sst lr;
	_ =	strace $0xD0000000  }
0x3: {  	_ = 	snop  }
0x4: {  	_ = 	snop  }
0x5: {  	_ = 	snop  }
0x6: {  	_ = 	snop  }
0x7: {  	_ = 	snop  }
__scs_overlays_trampoline_lowered:
0x8: {  	[smem:$0x3FAA] =	sst s0  }
0x9: {  	[smem:$0x3FAB] =	sst s1  }
0xa: {  	[smem:$0x3FAC] =	sst s2  }
0xb: {  	[smem:$0x3FAD] =	sst s3  }
0xc: {  	[smem:$0x3FAE] =	sst s4  }
0xd: {  	[smem:$0x3FAF] =	sst s5  }
0xe: {  	[smem:$0x3FB0] =	sst s6  }
0xf: {  	[smem:$0x3FB1] =	sst s7  }
0x10: {  	[smem:$0x3FB2] =	sst s8  }
0x11: {  	[smem:$0x3FB3] =	sst s9;
	s0 =	simm.s32 @!p0 $0x0  }
0x12: {  	s1 =	sld [smem:$0x3F99];
	s0 =	simm.s32 @p0 $0x1  }
0x13: {  	[smem:$0x3FB4] =	sst s0;
	s0 =	simm.s32 @!p1 $0x0  }
0x14: {  	s2 =	sld [smem:$0x3F98];
	s0 =	simm.s32 @p1 $0x1  }
0x15: {  	[smem:$0x3FB5] =	sst s0;
	s0 =	simm.s32 @!p2 $0x0  }
0x16: {  	s3 =	sld [smem:$0x3FDB];
	s0 =	simm.s32 @p2 $0x1  }
0x17: {  	s4 =	simm.s32 $0x1BF5;
	[smem:$0x3FB7] =	sst s0  }
0x18: {  	s0 =	sld [smem:$0x3F9A];
	_ =	swait.ge [sflag:s4], $0x0  }
0x19: {  	s7 =	sld [smem:$0x3F9B]  }
0x1a: {  	s8 =	sadd.s32 $0xFFFFE003, lr  }
0x1b: {  	s9 =	sadd.s32 $0xFFFFFEF7, lr;
	s5 =	simm.s32 $0xFFFFFFFF;
	p2 =	slt.u32 s8, $0xFFFFF086  }
0x1c: {  	p1 =	slt.u32 s9, $0xF7A;
	s5 =	simm.s32 @!p2 $0x0  }
0x1d: {  	s5 =	simm.s32 @p1 $0x1;
	p0 =	seq.s32 s7, s2  }
0x1e: {  	s7 =	smul.u32 @!p0 $0xF7A, s2;
	p2 =	seq.s32 @!p0 s5, $0x0  }
0x1f: {  	s9 =	smul.u32 $0xF7A, s1;
	s8 =	simm.s32 @!p0 $0x1BF5;
	p2 =	por !p2, p0  }
0x20: {  	[sflag:s8] =	ssyncset.s32 @!p0 $0xFFFFF086;
	s6 =	sadd.s32 @!p0 s3, s7;
	s7 =	simm.s32 @!p0 $0x108  }
0x21: {  	s3 =	sadd.s32 s3, s9;
	s6 =	sadd.s32 @!p0 $0x88, s6;
	s7 =	simm.s32 @p2 $0x1082  }
0x22: {  	[simem:s7], [sflag:s8] =	dma.local @!p0 [hbm:s6], $0xF7A  }
0x23: {  	s9 =	sor.u32 $0xD0000000, s2;
	s6 =	simm.s32 $0x108;
	_ =	swait.ge @!p0 [sflag:s8], $0x0  }
0x24: {  	s3 =	sadd.s32 $0x88, s3;
	s6 =	simm.s32 @!p1 $0x1082;
	[sflag:s4] =	ssyncset.s32 $0xFFFFF086  }
0x25: {  	[simem:s6], [sflag:s4] =	dma.local [hbm:s3], $0xF7A  }
0x26: {  	[smem:$0x3F9B] =	sst s1;
	(tag) =	ssettag s2;
	_ =	strace s9  }
0x27: {  	s1 =	sld [smem:$0x3FAB]  }
0x28: {  	s2 =	sld [smem:$0x3FAC]  }
0x29: {  	s4 =	sld [smem:$0x3FAE]  }
0x2a: {  	p0 =	seq.s32 s5, $0x0;
	s5 =	sld [smem:$0x3FAF]  }
0x2b: {  	s6 =	sld [smem:$0x3FB0]  }
0x2c: {  	s7 =	sld [smem:$0x3FB1]  }
0x2d: {  	s3 =	simm.s32 $0x108;
	s8 =	sld [smem:$0x3FB2]  }
0x2e: {  	s3 =	simm.s32 @!p0 $0x1082;
	s9 =	sld [smem:$0x3FB3]  }
0x2f: {  	lr =	sadd.s32 s0, s3;
	s0 =	sld [smem:$0x3FAA]  }
0x30: {  	s3 =	sld [smem:$0x3FAD]  }
0x31: {  	[smem:$0x3FB6] =	sst s10  }
0x32: {  	s10 =	sld [smem:$0x3FB4];
	_ =	sdelay $0x3  }
0x33: {  	p0 =	seq.s32 s10, $0x1;
	s10 =	sld [smem:$0x3FB6];
	_ =	sdelay $0x3  }
0x34: {  	[smem:$0x3FB6] =	sst s10  }
0x35: {  	s10 =	sld [smem:$0x3FB5];
	_ =	sdelay $0x3  }
0x36: {  	p1 =	seq.s32 s10, $0x1;
	s10 =	sld [smem:$0x3FB6];
	_ =	sdelay $0x3  }
0x37: {  	[smem:$0x3FB6] =	sst s10  }
0x38: {  	s10 =	sld [smem:$0x3FB7]  }
0x39: {  	_ = 	snop;
	(pc) =	sbr.ind lr, $3  }
0x3a: {  	_ = 	snop  }
0x3b: {  	_ = 	snop  }
0x3c: {  	p2 =	seq.s32 s10, $0x1;
	s10 =	sld [smem:$0x3FB6]  }
0x3d: {  	_ =	shalt  }
0x3e: {  	_ =	shalt  }
0x3f: {  	_ =	shalt  }
0x40: {  	_ =	shalt  }
0x41: {  	_ =	shalt  }
0x42: {  	_ =	shalt  }
0x43: {  	_ =	shalt  }
0x44: {  	_ =	shalt  }
0x45: {  	_ =	shalt  }
0x46: {  	_ =	shalt  }
0x47: {  	_ =	shalt  }
0x48: {  	_ =	shalt  }
0x49: {  	_ =	shalt  }
0x4a: {  	_ =	shalt  }
0x4b: {  	_ =	shalt  }
0x4c: {  	_ =	shalt  }
0x4d: {  	_ =	shalt  }
0x4e: {  	_ =	shalt  }
0x4f: {  	_ =	shalt  }
0x50: {  	_ =	shalt  }
0x51: {  	_ =	shalt  }
0x52: {  	_ =	shalt  }
0x53: {  	_ =	shalt  }
0x54: {  	_ =	shalt  }
0x55: {  	_ =	shalt  }
0x56: {  	_ =	shalt  }
0x57: {  	_ =	shalt  }
0x58: {  	_ =	shalt  }
0x59: {  	_ =	shalt  }
0x5a: {  	_ =	shalt  }
0x5b: {  	_ =	shalt  }
0x5c: {  	_ =	shalt  }
0x5d: {  	_ =	shalt  }
0x5e: {  	_ =	shalt  }
0x5f: {  	_ =	shalt  }
0x60: {  	_ =	shalt  }
0x61: {  	_ =	shalt  }
0x62: {  	_ =	shalt  }
0x63: {  	_ =	shalt  }
0x64: {  	_ =	shalt  }
0x65: {  	_ =	shalt  }
0x66: {  	_ =	shalt  }
0x67: {  	_ =	shalt  }
0x68: {  	_ =	shalt  }
0x69: {  	_ =	shalt  }
0x6a: {  	_ =	shalt  }
0x6b: {  	_ =	shalt  }
0x6c: {  	_ =	shalt  }
0x6d: {  	_ =	shalt  }
0x6e: {  	_ =	shalt  }
0x6f: {  	_ =	shalt  }
0x70: {  	_ =	shalt  }
0x71: {  	_ =	shalt  }
0x72: {  	_ =	shalt  }
0x73: {  	_ =	shalt  }
0x74: {  	_ =	shalt  }
0x75: {  	_ =	shalt  }
0x76: {  	_ =	shalt  }
0x77: {  	_ =	shalt  }
0x78: {  	_ =	shalt  }
0x79: {  	_ =	shalt  }
0x7a: {  	_ =	shalt  }
0x7b: {  	_ =	shalt  }
0x7c: {  	_ =	shalt  }
0x7d: {  	_ =	shalt  }
0x7e: {  	_ =	shalt  }
0x7f: {  	_ =	shalt  }
0x80: {  	_ =	shalt  }
0x81: {  	_ =	shalt  }
0x82: {  	_ =	shalt  }
0x83: {  	_ =	shalt  }
0x84: {  	_ =	shalt  }
0x85: {  	_ =	shalt  }
0x86: {  	_ =	shalt  }
0x87: {  	_ =	shalt  }
.Lfunc_end0:
.L_simem_size_0:
called_computation.2_lowered:
.L_overlay_start_0:
0x88: {  	s2 =	sld [smem:$0x3FD9]  }
0x89: {  	s3 =	sld [smem:$0x3FFE];
	_ =	sdelay $0x1  }
0x8a: {  	s1 =	srdreg.scid  }
0x8b: {  	s0 =	sand.u32 $0x1, s1  }
0x8c: {  	s17 =	sshll.u32 s0, $0xA;
	s2 =	sadd.s32 s3, s2  }
0x8d: {  	s2 =	sadd.s32 s2, s17  }
0x8e: {  	[smem:$0x3FC2] =	sst s2  }
0x8f: {  	_ = 	snop  }
0x90: {  	s2 =	sld [smem:$0x3FD0];
	(tm) =	ssettm $0x1  }
0x91: {  	s18 =	sld [smem:$0x3FFB];
	_ =	sdelay $0x3  }
0x92: {  	_ =	strace s18  }
0x93: {  	s3 =	sld [smem:$0x3FFC];
	_ =	sdelay $0x3  }
0x94: {  	_ =	strace s3  }
0x95: {  	s3 =	sld [smem:$0x3FFD];
	_ =	sdelay $0x3  }
0x96: {  	_ =	strace s3  }
0x97: {  	_ =	strace $0x8FFFFFFF  }
0x98: {  	s19 =	sld [smem:$0x3FDB];
	_ =	sdelay $0x1  }
0x99: {  	s4 =	simm.s32 $_scs_section_size  }
0x9a: {  	s5 =	simm.s32 $_size__tile_overlayer_lowered;
	s6 =	simm.s32 $_tile_overlayer_lowered  }
0x9b: {  	s22 =	simm.s32 $0x1BFF;
	s21 =	sshll.u32 s6, $0x1;
	s3 =	sadd.s32 s4, s19  }
0x9c: {  	s7 =	simm.s32 $0x0;
	s20 =	sshll.u32 s5, $0x1;
	s5 =	sadd.s32 s21, s3  }
0x9d: {  	[timem:s7], [sflag:s22] =	dma.local [hbm:s5], s20  }
0x9e: {  	_ =	swait.ge [sflag:s22], s20  }
0x9f: {  	s4 =	ssub.s32 $0x0, s20;
	[sflag:s22] =	ssyncset.done $0x0  }
0xa0: {  	[sflag:s22] =	ssyncadd.s32 s4;
	_ =	sdelay $0x1  }
0xa1: {  	s23 =	simm.s32 $0x1B8B  }
0xa2: {  	_ =	swait.ge [sflag:s23], $0x1  }
0xa3: {  	[sflag:s23] =	ssyncset.done $0x0  }
0xa4: {  	s25 =	simm.s32 $0x1B8E;
	s24 =	sld [smem:$0x3FFE];
	[sflag:s23] =	ssyncadd.s32 $0xFFFFFFFF  }
0xa5: {  	s26 =	simm.s32 $execute0_lowered;
	[smem:$0x3FD2] =	sst s25  }
0xa6: {  	s5 =	sshll.u32 s26, $0x1;
	_ =	strace $0x8000004C;
	[dreg:$0x1] =	wrdreg $0xFFFFFFFF  }
0xa7: {  	s28 =	simm.s32 $_size_execute0_lowered;
	s3 =	sadd.s32 s3, s5;
	[dreg:$0x0] =	wrdreg $0x0  }
0xa8: {  	s5 =	sshll.u32 s28, $0x1;
	[dreg:$0x2] =	wrdreg s3  }
0xa9: {  	[dreg:$0x3] =	wrdreg s5  }
0xaa: {  	[dreg:$0x4] =	wrdreg $0xC0  }
0xab: {  	_ =	task [dreg:s7], $0x5FFFF  }
0xac: {  	[dreg:$0x1] =	wrdreg $0xFFFFFFFF  }
0xad: {  	[dreg:$0x0] =	wrdreg $0x60  }
0xae: {  	[dreg:$0x2] =	wrdreg s2  }
0xaf: {  	[dreg:$0x3] =	wrdreg s24  }
0xb0: {  	[dreg:$0x4] =	wrdreg $0x90000  }
0xb1: {  	[dreg:$0x5] =	wrdreg $0x9  }
0xb2: {  	_ =	task.clear_ibuf [dreg:s7], $0x6FFFF;
	_ =	strace $0x9000004C  }
0xb3: {  	s29 =	simm.s32 $0x9;
	_ =	strace $0x8000004E  }
0xb4: {  	_ =	swait.ge [sflag:s29], $0x1  }
0xb5: {  	[sflag:s29] =	ssyncadd.s32 $0xFFFFFFFF  }
0xb6: {  	_ =	strace $0x9000004E  }
0xb7: {  	_ =	sfence  }
0xb8: {  	s30 =	sld [smem:$0x0];
	_ =	sdelay $0x2  }
0xb9: {  	s31 =	sshll.u32 s1, $0xD;
	s1 =	sshrl.u32 s1, $0x2  }
0xba: {  	s3 =	sand.u32 $0x4000, s31;
	s1 =	sadd.s32 s1, s30  }
0xbb: {  	s0 =	sor.u32 s3, s0;
	s1 =	sshll.u32 s1, $0x11  }
0xbc: {  	s0 =	sor.u32 s1, s0  }
0xbd: {  	s0 =	sadd.s32 $0x8F2B, s0  }
0xbe: {  	[sflag:s0] =	ssyncadd.remote.s32 $0x1  }
0xbf: {  	_ =	sfence.sel $0xFFFF  }
0xc0: {  	[dreg:$0x0] =	wrdreg $0xFFFFFFFF;
	(pc) =	sbr.abs _section_cstart, $3  }
0xc1: {  	[dreg:$0x1] =	wrdreg $0xFFFFFFFF  }
0xc2: {  	_ =	task.clear_ibuf [dreg:s7], $0x2FFFF;
	_ =	strace $0x9FFFFFFF  }
0xc3: {  	(tm) =	ssettm $0x7FFFFFFF  }
tec
execute0_lowered:
.L_overlay_start_1:
0x0: {  	(tag) =	ssettag $0x1  }
0x1: {  	s1 =	rddreg [dreg:$0x0]  }
0x2: {  	s5 =	rddreg [dreg:$0x1]  }
0x3: {  	s3 =	rddreg [dreg:$0x2]  }
0x4: {  	s2 =	srdreg.scid;
	s0 =	rddreg [dreg:$0x3]  }
0x5: {  	s4 =	simm.s32 $0x0;
	s14 =	simm.s32 $0x5000;
	s15 =	simm.s32 $0x3  }
0x6: {  	s16 =	simm.s32 $0x2800;
	s17 =	simm.s32 $0x80;
	s18 =	simm.s32 $0x7000  }
0x7: {  	s19 =	simm.s32 $0x1;
	s20 =	simm.s32 $0x2;
	s6 =	sand.u32 $0x1, s2  }
0x8: {  	s21 =	simm.s32 $0x4F00;
	s2 =	stileid.u32;
	s8 =	smul.u32 $0xA0000, s6  }
0x9: {  	s22 =	simm.s32 $0x4F80;
	[smem:$0x7FF] =	sst s4;
	s9 =	smul.u32 $0xA000, s2  }
0xa: {  	s7 =	sshll.u32 s6, $0x4;
	s10 =	smul.u32 $0x28000, s2;
	s6 =	ssub.s32 $0x2, s6  }
0xb: {  	_ =	strace $0x8000004D;
	s7 =	sor.u32 s2, s7;
	s31 =	sshrl.u32 s6, $0x1  }
0xc: {  	s7 =	smul.u32 $0x500, s7;
	s8 =	sadd.s32 s9, s8;
	s10 =	sshrl.u32 s10, $0x2  }
0xd: {  	s11 =	ssub.s32 s6, s31;
	s23 =	sadd.s32 s9, s3;
	s8 =	sshrl.u32 s8, $0x3  }
0xe: {  	s9 =	smax.u32 s11, $0x1;
	s23 =	sshrl.u32 s23, $0x3;
	s7 =	sadd.s32 s7, s5  }
0xf: {  	s8 =	sadd.s32 s8, s5;
	s5 =	sadd.s32 s10, s3;
	s6 =	sadd.s32 $0xBE00, s7  }
0x10: {  	s7 =	sadd.s32 $0x1E00, s7;
	s8 =	sadd.s32 $0x15E00, s8;
	s10 =	sadd.s32 $0x2000, s5  }
0x11: {  	v0 =	vimm.f32 $0.0e+00;
	s11 =	sadd.s32 $0x4000, s5;
	s12 =	sadd.s32 $0x6000, s5;
	s13 =	sadd.s32 $0x8000, s5  }
.LBB2_1:
0x12: {  	s25 =	simm.s32 $0x100;
	s24 =	simm.s32 $0x0  }
.LBB2_2:
0x13: {  	p0 =	sne.s32 s25, $0x7F00;
	[tilespmem:s24+$0x5030] =	vst v0;
	s26 =	smov.u32 s25;
	s25 =	sadd.s32 $0x100, s25  }
.Ltmp0:
0x14: {  	[tilespmem:s24+$0x5020] =	vst v0;
	(pc) =	sbr.rel @p0 .LBB2_2-.Ltmp0, $3  }
0x15: {  	[tilespmem:s24+$0x5000] =	vst v0  }
0x16: {  	[tilespmem:s24+$0x5010] =	vst v0;
	_ =	sdelay $0x1  }
0x17: {  	s24 =	sshra.s32 s26, $0x2  }
0x18: {  	[tilespmem:s24+$0x5030] =	vst v0  }
0x19: {  	[tilespmem:s24+$0x5020] =	vst v0  }
0x1a: {  	[tilespmem:s24+$0x5000] =	vst v0  }
0x1b: {  	[tilespmem:s24+$0x5010] =	vst v0  }
0x1c: {  	[spmem:s5] =	stream.linear.scatter [tilespmem:s14], [sflag:$0x3], $0x2000, $0x38;
	[tilespmem:$0x13000] =	vst v63  }
0x1d: {  	_ =	swait.ge [sflag:s15], $0x2000  }
0x1e: {  	[sflag:s15] =	ssyncset.done $0x0  }
0x1f: {  	[sflag:s15] =	ssyncadd.s32 $0xFFFFE000  }
0x20: {  	[spmem:s10] =	stream.linear.scatter [tilespmem:s14], [sflag:$0x3], $0x2000, $0x38;
	[tilespmem:$0x13000] =	vst v63  }
0x21: {  	_ =	swait.ge [sflag:s15], $0x2000  }
0x22: {  	[sflag:s15] =	ssyncset.done $0x0  }
0x23: {  	[sflag:s15] =	ssyncadd.s32 $0xFFFFE000  }
0x24: {  	[spmem:s11] =	stream.linear.scatter [tilespmem:s14], [sflag:$0x3], $0x2000, $0x38;
	[tilespmem:$0x13000] =	vst v63  }
0x25: {  	_ =	swait.ge [sflag:s15], $0x2000  }
0x26: {  	[sflag:s15] =	ssyncset.done $0x0  }
0x27: {  	[sflag:s15] =	ssyncadd.s32 $0xFFFFE000  }
0x28: {  	[spmem:s12] =	stream.linear.scatter [tilespmem:s14], [sflag:$0x3], $0x2000, $0x38;
	[tilespmem:$0x13000] =	vst v63  }
0x29: {  	_ =	swait.ge [sflag:s15], $0x2000  }
0x2a: {  	[sflag:s15] =	ssyncset.done $0x0  }
0x2b: {  	[sflag:s15] =	ssyncadd.s32 $0xFFFFE000  }
0x2c: {  	[spmem:s13] =	stream.linear.scatter [tilespmem:s14], [sflag:$0x3], $0x2000, $0x38;
	[tilespmem:$0x13000] =	vst v63  }
0x2d: {  	_ =	swait.ge [sflag:s15], $0x2000  }
0x2e: {  	[sflag:s15] =	ssyncset.done $0x0  }
0x2f: {  	[sflag:s15] =	ssyncadd.s32 $0xFFFFE000  }
0x30: {  	s28 =	simm.s32 $0x0;
	[bflag:$0x0] =	sbarrier.arrive $0xFFFF  }
0x31: {  	[tilespmem:s28], [sflag:$0x3] =	stream.linear.gather [hbm4b:s6+s28], $0x2800, $0x38;
	[tilespmem:$0x13000] =	vst v63  }
0x32: {  	_ =	swait.ge [sflag:s15], $0x2800  }
0x33: {  	[sflag:s15] =	ssyncset.done $0x0  }
0x34: {  	[sflag:s15] =	ssyncadd.s32 $0xFFFFD800  }
0x35: {  	[tilespmem:s16], [sflag:$0x3] =	stream.linear.gather [hbm4b:s7+s28], $0x2800, $0x38;
	[tilespmem:$0x13000] =	vst v63  }
0x36: {  	_ =	swait.ge [sflag:s15], $0x2800  }
0x37: {  	[sflag:s15] =	ssyncset.done $0x0  }
0x38: {  	[sflag:s15] =	ssyncadd.s32 $0xFFFFD800  }
0x39: {  	[tilespmem:s14], [sflag:$0x1] =	stream.indirect.gather [hbm4b:s1+s17], $0x40, s28, s17, $0xb8;
	[tilespmem:$0x13000] =	vst v63  }
0x3a: {  	_ = 	snop  }
0x3b: {  	[tilespmem:s18], [sflag:$0x2] =	stream.indirect.gather [hbm4b:s1+s17], $0x40, s17, s17, $0xb8;
	[tilespmem:$0x13000] =	vst v63  }
0x3c: {  	_ =	swait.ge [sflag:s19], $0x2000  }
0x3d: {  	[sflag:s19] =	ssyncset.done $0x0  }
0x3e: {  	s29 =	simm.s32 $0x2800;
	[sflag:s19] =	ssyncadd.s32 $0xFFFFE000  }
0x3f: {  	[spmem:s3] =	stream.indirect.scatter.add.f32 [tilespmem:s14], [sflag:$0x3], $0x40, s29, s17, $0xb8;
	[tilespmem:$0x13000] =	vst v63  }
0x40: {  	_ =	swait.ge [sflag:s15], $0x2000  }
0x41: {  	[sflag:s15] =	ssyncset.done $0x0  }
0x42: {  	s30 =	simm.s32 $0x100;
	[sflag:s15] =	ssyncadd.s32 $0xFFFFE000  }
0x43: {  	[tilespmem:s14], [sflag:$0x1] =	stream.indirect.gather [hbm4b:s1+s17], $0x40, s30, s17, $0xb8;
	[tilespmem:$0x13000] =	vst v63  }
0x44: {  	_ =	swait.ge [sflag:s20], $0x2000  }
0x45: {  	[sflag:s20] =	ssyncset.done $0x0  }
0x46: {  	s31 =	simm.s32 $0x2880;
	[sflag:s20] =	ssyncadd.s32 $0xFFFFE000  }
0x47: {  	[spmem:s3] =	stream.indirect.scatter.add.f32 [tilespmem:s18], [sflag:$0x3], $0x40, s31, s17, $0xb8;
	[tilespmem:$0x13000] =	vst v63  }
0x48: {  	_ =	swait.ge [sflag:s15], $0x2000  }
0x49: {  	[sflag:s15] =	ssyncset.done $0x0  }
0x4a: {  	s24 =	simm.s32 $0x400;
	s25 =	simm.s32 $0x180;
	[sflag:s15] =	ssyncadd.s32 $0xFFFFE000  }
.LBB2_4:
0x4b: {  	[tilespmem:s18], [sflag:$0x2] =	stream.indirect.gather [hbm4b:s1+s17], $0x40, s25, s17, $0xb8;
	[tilespmem:$0x13000] =	vst v63  }
0x4c: {  	s25 =	smov.u32 s24  }
0x4d: {  	p0 =	sne.s32 s24, $0x9800;
	s24 =	sadd.s32 $0x400, s24;
	_ =	swait.ge [sflag:s19], $0x2000  }
0x4e: {  	s25 =	sshra.s32 s25, $0x2;
	[sflag:s19] =	ssyncset.done $0x0  }
0x4f: {  	s26 =	sadd.s32 $0x2800, s25;
	[sflag:s19] =	ssyncadd.s32 $0xFFFFE000  }
0x50: {  	[spmem:s3] =	stream.indirect.scatter.add.f32 [tilespmem:s14], [sflag:$0x3], $0x40, s26, s17, $0xb8;
	[tilespmem:$0x13000] =	vst v63  }
0x51: {  	_ =	swait.ge [sflag:s15], $0x2000  }
0x52: {  	[sflag:s15] =	ssyncset.done $0x0  }
0x53: {  	s26 =	sadd.s32 $0x100, s25;
	[sflag:s15] =	ssyncadd.s32 $0xFFFFE000  }
0x54: {  	[tilespmem:s14], [sflag:$0x1] =	stream.indirect.gather [hbm4b:s1+s17], $0x40, s26, s17, $0xb8;
	[tilespmem:$0x13000] =	vst v63  }
0x55: {  	_ =	swait.ge [sflag:s20], $0x2000  }
0x56: {  	[sflag:s20] =	ssyncset.done $0x0  }
.Ltmp1:
0x57: {  	s26 =	sadd.s32 $0x2880, s25;
	[sflag:s20] =	ssyncadd.s32 $0xFFFFE000;
	(pc) =	sbr.rel @p0 .LBB2_4-.Ltmp1, $4  }
0x58: {  	[spmem:s3] =	stream.indirect.scatter.add.f32 [tilespmem:s18], [sflag:$0x3], $0x40, s26, s17, $0xb8;
	[tilespmem:$0x13000] =	vst v63  }
0x59: {  	_ =	swait.ge [sflag:s15], $0x2000  }
0x5a: {  	[sflag:s15] =	ssyncset.done $0x0  }
0x5b: {  	s25 =	sadd.s32 $0x180, s25;
	[sflag:s15] =	ssyncadd.s32 $0xFFFFE000  }
0x5c: {  	[tilespmem:s18], [sflag:$0x2] =	stream.indirect.gather [hbm4b:s1+s17], $0x40, s25, s17, $0xb8;
	[tilespmem:$0x13000] =	vst v63  }
0x5d: {  	_ =	swait.ge [sflag:s19], $0x2000  }
0x5e: {  	[sflag:s19] =	ssyncset.done $0x0  }
0x5f: {  	[sflag:s19] =	ssyncadd.s32 $0xFFFFE000  }
0x60: {  	[spmem:s3] =	stream.indirect.scatter.add.f32 [tilespmem:s14], [sflag:$0x3], $0x40, s21, s17, $0xb8;
	[tilespmem:$0x13000] =	vst v63  }
0x61: {  	_ =	swait.ge [sflag:s15], $0x2000  }
0x62: {  	[sflag:s15] =	ssyncset.done $0x0  }
0x63: {  	[sflag:s15] =	ssyncadd.s32 $0xFFFFE000  }
0x64: {  	_ =	swait.ge [sflag:s20], $0x2000  }
0x65: {  	[sflag:s20] =	ssyncset.done $0x0  }
0x66: {  	[sflag:s20] =	ssyncadd.s32 $0xFFFFE000  }
0x67: {  	[spmem:s3] =	stream.indirect.scatter.add.f32 [tilespmem:s18], [sflag:$0x3], $0x40, s22, s17, $0xb8;
	[tilespmem:$0x13000] =	vst v63  }
0x68: {  	_ =	swait.ge [sflag:s15], $0x2000  }
0x69: {  	s4 =	sadd.s32 $0x1, s4;
	[sflag:s15] =	ssyncset.done $0x0  }
0x6a: {  	s24 =	sshll.u32 s2, $0x6;
	p0 =	sne.s32 s4, s9;
	[sflag:s15] =	ssyncadd.s32 $0xFFFFE000  }
.Ltmp2:
0x6b: {  	s24 =	sor.u32 $0x1C03, s24;
	[bflag:$0x0] =	sbarrier.arrive $0xFFFF;
	(pc) =	sbr.rel @p0 .LBB2_1-.Ltmp2, $4  }
0x6c: {  	[hbm:s8], [sflag:s24] =	dma.local [spmem:s23], $0x1400  }
0x6d: {  	_ =	swait.ge [sflag:s15], $0x1400  }
0x6e: {  	[sflag:s15] =	ssyncset.done $0x0  }
0x6f: {  	[sflag:s15] =	ssyncadd.s32 $0xFFFFEC00  }
0x70: {  	_ =	sfence.sel $0x180000  }
0x71: {  	[bflag:$0x0] =	sbarrier.arrive $0xFFFF  }
0x72: {  	p0 =	sne.s32 s2, $0x0;
	_ =	strace $0x9000004D  }
0x73: {  	s0 =	sadd.s32 @!p0 $0x100000, s0;
	[bflag:$0x2] =	sbarrier.arrive $0xFFFF  }
0x74: {  	[sflag:s0] =	ssyncadd.tile.s32 @!p0 $0x1;
	_ =	shalt  }
.Lfunc_end2:
_tile_overlayer_lowered:
.L_overlay_start_2:
0x75: {  	(tag) =	ssettag $0x2  }
0x76: {  	s0 =	rddreg [dreg:$0x0];
	s2 =	stileid.u32  }
0x77: {  	s1 =	rddreg [dreg:$0x1];
	p0 =	sne.s32 s2, $0x0  }
0x78: {  	s3 =	rddreg [dreg:$0x2];
	[bflag:$0x3] =	sbarrier.arrive $0xFFFF;
	s2 =	simm.s32 @!p0 $0x1C03  }
0x79: {  	[timem:s3], [sflag:s2] =	dma.local @!p0 [hbm:s0], s1  }
0x7a: {  	s0 =	simm.s32 @!p0 $0x3  }
0x7b: {  	_ =	swait.ge @!p0 [sflag:s0], s1  }
0x7c: {  	s1 =	ssub.s32 @!p0 $0x0, s1;
	[sflag:s0] =	ssyncset.done @!p0 $0x0  }
0x7d: {  	[sflag:s0] =	ssyncadd.s32 @!p0 s1  }
0x7e: {  	[bflag:$0x3] =	sbarrier.arrive $0xFFFF  }
0x7f: {  	_ =	shalt  }

// kernel: kernel.8.cloned.1.call-start
scs
__scs_entry_jumppad:
0x0: {  	(pc) =	sbr.rel $0x88, $3  }
0x1: {  	(tag) =	ssettag $0x0;
	lr =	simm.s32 $0x1  }
0x2: {  	[smem:$0x3F9B] =	sst lr;
	_ =	strace $0xD0000000  }
0x3: {  	_ = 	snop  }
0x4: {  	_ = 	snop  }
0x5: {  	_ = 	snop  }
0x6: {  	_ = 	snop  }
0x7: {  	_ = 	snop  }
__scs_overlays_trampoline_lowered:
0x8: {  	[smem:$0x3FAA] =	sst s0  }
0x9: {  	[smem:$0x3FAB] =	sst s1  }
0xa: {  	[smem:$0x3FAC] =	sst s2  }
0xb: {  	[smem:$0x3FAD] =	sst s3  }
0xc: {  	[smem:$0x3FAE] =	sst s4  }
0xd: {  	[smem:$0x3FAF] =	sst s5  }
0xe: {  	[smem:$0x3FB0] =	sst s6  }
0xf: {  	[smem:$0x3FB1] =	sst s7  }
0x10: {  	[smem:$0x3FB2] =	sst s8  }
0x11: {  	[smem:$0x3FB3] =	sst s9;
	s0 =	simm.s32 @!p0 $0x0  }
0x12: {  	s1 =	sld [smem:$0x3F99];
	s0 =	simm.s32 @p0 $0x1  }
0x13: {  	[smem:$0x3FB4] =	sst s0;
	s0 =	simm.s32 @!p1 $0x0  }
0x14: {  	s2 =	sld [smem:$0x3F98];
	s0 =	simm.s32 @p1 $0x1  }
0x15: {  	[smem:$0x3FB5] =	sst s0;
	s0 =	simm.s32 @!p2 $0x0  }
0x16: {  	s3 =	sld [smem:$0x3FDB];
	s0 =	simm.s32 @p2 $0x1  }
0x17: {  	s4 =	simm.s32 $0x1BF5;
	[smem:$0x3FB7] =	sst s0  }
0x18: {  	s0 =	sld [smem:$0x3F9A];
	_ =	swait.ge [sflag:s4], $0x0  }
0x19: {  	s7 =	sld [smem:$0x3F9B]  }
0x1a: {  	s8 =	sadd.s32 $0xFFFFE003, lr  }
0x1b: {  	s9 =	sadd.s32 $0xFFFFFEF7, lr;
	s5 =	simm.s32 $0xFFFFFFFF;
	p2 =	slt.u32 s8, $0xFFFFF086  }
0x1c: {  	p1 =	slt.u32 s9, $0xF7A;
	s5 =	simm.s32 @!p2 $0x0  }
0x1d: {  	s5 =	simm.s32 @p1 $0x1;
	p0 =	seq.s32 s7, s2  }
0x1e: {  	s7 =	smul.u32 @!p0 $0xF7A, s2;
	p2 =	seq.s32 @!p0 s5, $0x0  }
0x1f: {  	s9 =	smul.u32 $0xF7A, s1;
	s8 =	simm.s32 @!p0 $0x1BF5;
	p2 =	por !p2, p0  }
0x20: {  	[sflag:s8] =	ssyncset.s32 @!p0 $0xFFFFF086;
	s6 =	sadd.s32 @!p0 s3, s7;
	s7 =	simm.s32 @!p0 $0x108  }
0x21: {  	s3 =	sadd.s32 s3, s9;
	s6 =	sadd.s32 @!p0 $0x88, s6;
	s7 =	simm.s32 @p2 $0x1082  }
0x22: {  	[simem:s7], [sflag:s8] =	dma.local @!p0 [hbm:s6], $0xF7A  }
0x23: {  	s9 =	sor.u32 $0xD0000000, s2;
	s6 =	simm.s32 $0x108;
	_ =	swait.ge @!p0 [sflag:s8], $0x0  }
0x24: {  	s3 =	sadd.s32 $0x88, s3;
	s6 =	simm.s32 @!p1 $0x1082;
	[sflag:s4] =	ssyncset.s32 $0xFFFFF086  }
0x25: {  	[simem:s6], [sflag:s4] =	dma.local [hbm:s3], $0xF7A  }
0x26: {  	[smem:$0x3F9B] =	sst s1;
	(tag) =	ssettag s2;
	_ =	strace s9  }
0x27: {  	s1 =	sld [smem:$0x3FAB]  }
0x28: {  	s2 =	sld [smem:$0x3FAC]  }
0x29: {  	s4 =	sld [smem:$0x3FAE]  }
0x2a: {  	p0 =	seq.s32 s5, $0x0;
	s5 =	sld [smem:$0x3FAF]  }
0x2b: {  	s6 =	sld [smem:$0x3FB0]  }
0x2c: {  	s7 =	sld [smem:$0x3FB1]  }
0x2d: {  	s3 =	simm.s32 $0x108;
	s8 =	sld [smem:$0x3FB2]  }
0x2e: {  	s3 =	simm.s32 @!p0 $0x1082;
	s9 =	sld [smem:$0x3FB3]  }
0x2f: {  	lr =	sadd.s32 s0, s3;
	s0 =	sld [smem:$0x3FAA]  }
0x30: {  	s3 =	sld [smem:$0x3FAD]  }
0x31: {  	[smem:$0x3FB6] =	sst s10  }
0x32: {  	s10 =	sld [smem:$0x3FB4];
	_ =	sdelay $0x3  }
0x33: {  	p0 =	seq.s32 s10, $0x1;
	s10 =	sld [smem:$0x3FB6];
	_ =	sdelay $0x3  }
0x34: {  	[smem:$0x3FB6] =	sst s10  }
0x35: {  	s10 =	sld [smem:$0x3FB5];
	_ =	sdelay $0x3  }
0x36: {  	p1 =	seq.s32 s10, $0x1;
	s10 =	sld [smem:$0x3FB6];
	_ =	sdelay $0x3  }
0x37: {  	[smem:$0x3FB6] =	sst s10  }
0x38: {  	s10 =	sld [smem:$0x3FB7]  }
0x39: {  	_ = 	snop;
	(pc) =	sbr.ind lr, $3  }
0x3a: {  	_ = 	snop  }
0x3b: {  	_ = 	snop  }
0x3c: {  	p2 =	seq.s32 s10, $0x1;
	s10 =	sld [smem:$0x3FB6]  }
0x3d: {  	_ =	shalt  }
0x3e: {  	_ =	shalt  }
0x3f: {  	_ =	shalt  }
0x40: {  	_ =	shalt  }
0x41: {  	_ =	shalt  }
0x42: {  	_ =	shalt  }
0x43: {  	_ =	shalt  }
0x44: {  	_ =	shalt  }
0x45: {  	_ =	shalt  }
0x46: {  	_ =	shalt  }
0x47: {  	_ =	shalt  }
0x48: {  	_ =	shalt  }
0x49: {  	_ =	shalt  }
0x4a: {  	_ =	shalt  }
0x4b: {  	_ =	shalt  }
0x4c: {  	_ =	shalt  }
0x4d: {  	_ =	shalt  }
0x4e: {  	_ =	shalt  }
0x4f: {  	_ =	shalt  }
0x50: {  	_ =	shalt  }
0x51: {  	_ =	shalt  }
0x52: {  	_ =	shalt  }
0x53: {  	_ =	shalt  }
0x54: {  	_ =	shalt  }
0x55: {  	_ =	shalt  }
0x56: {  	_ =	shalt  }
0x57: {  	_ =	shalt  }
0x58: {  	_ =	shalt  }
0x59: {  	_ =	shalt  }
0x5a: {  	_ =	shalt  }
0x5b: {  	_ =	shalt  }
0x5c: {  	_ =	shalt  }
0x5d: {  	_ =	shalt  }
0x5e: {  	_ =	shalt  }
0x5f: {  	_ =	shalt  }
0x60: {  	_ =	shalt  }
0x61: {  	_ =	shalt  }
0x62: {  	_ =	shalt  }
0x63: {  	_ =	shalt  }
0x64: {  	_ =	shalt  }
0x65: {  	_ =	shalt  }
0x66: {  	_ =	shalt  }
0x67: {  	_ =	shalt  }
0x68: {  	_ =	shalt  }
0x69: {  	_ =	shalt  }
0x6a: {  	_ =	shalt  }
0x6b: {  	_ =	shalt  }
0x6c: {  	_ =	shalt  }
0x6d: {  	_ =	shalt  }
0x6e: {  	_ =	shalt  }
0x6f: {  	_ =	shalt  }
0x70: {  	_ =	shalt  }
0x71: {  	_ =	shalt  }
0x72: {  	_ =	shalt  }
0x73: {  	_ =	shalt  }
0x74: {  	_ =	shalt  }
0x75: {  	_ =	shalt  }
0x76: {  	_ =	shalt  }
0x77: {  	_ =	shalt  }
0x78: {  	_ =	shalt  }
0x79: {  	_ =	shalt  }
0x7a: {  	_ =	shalt  }
0x7b: {  	_ =	shalt  }
0x7c: {  	_ =	shalt  }
0x7d: {  	_ =	shalt  }
0x7e: {  	_ =	shalt  }
0x7f: {  	_ =	shalt  }
0x80: {  	_ =	shalt  }
0x81: {  	_ =	shalt  }
0x82: {  	_ =	shalt  }
0x83: {  	_ =	shalt  }
0x84: {  	_ =	shalt  }
0x85: {  	_ =	shalt  }
0x86: {  	_ =	shalt  }
0x87: {  	_ =	shalt  }
.Lfunc_end0:
.L_simem_size_0:
called_computation_lowered:
.L_overlay_start_0:
0x88: {  	s2 =	sld [smem:$0x3FD9]  }
0x89: {  	s3 =	sld [smem:$0x3FFE];
	_ =	sdelay $0x1  }
0x8a: {  	s1 =	srdreg.scid  }
0x8b: {  	s0 =	sand.u32 $0x1, s1  }
0x8c: {  	s16 =	sshll.u32 s0, $0xA;
	s2 =	sadd.s32 s3, s2  }
0x8d: {  	s2 =	sadd.s32 s2, s16  }
0x8e: {  	[smem:$0x3FC2] =	sst s2  }
0x8f: {  	_ = 	snop  }
0x90: {  	(tm) =	ssettm $0x1  }
0x91: {  	s17 =	sld [smem:$0x3FFB];
	_ =	sdelay $0x3  }
0x92: {  	_ =	strace s17  }
0x93: {  	s2 =	sld [smem:$0x3FFC];
	_ =	sdelay $0x3  }
0x94: {  	_ =	strace s2  }
0x95: {  	s2 =	sld [smem:$0x3FFD];
	_ =	sdelay $0x3  }
0x96: {  	_ =	strace s2  }
0x97: {  	_ =	strace $0x8FFFFFFF  }
0x98: {  	s18 =	sld [smem:$0x3FDB];
	_ =	sdelay $0x1  }
0x99: {  	s19 =	simm.s32 $_scs_section_size  }
0x9a: {  	s4 =	simm.s32 $_size__tile_overlayer_lowered;
	s5 =	simm.s32 $_tile_overlayer_lowered  }
0x9b: {  	s22 =	simm.s32 $0x1BFF;
	s21 =	sshll.u32 s5, $0x1;
	s2 =	sadd.s32 s19, s18  }
0x9c: {  	s6 =	simm.s32 $0x0;
	s20 =	sshll.u32 s4, $0x1;
	s4 =	sadd.s32 s21, s2  }
0x9d: {  	[timem:s6], [sflag:s22] =	dma.local [hbm:s4], s20  }
0x9e: {  	_ =	swait.ge [sflag:s22], s20  }
0x9f: {  	s3 =	ssub.s32 $0x0, s20;
	[sflag:s22] =	ssyncset.done $0x0  }
0xa0: {  	[sflag:s22] =	ssyncadd.s32 s3;
	_ =	sdelay $0x1  }
0xa1: {  	s23 =	simm.s32 $0x1B8B  }
0xa2: {  	_ =	swait.ge [sflag:s23], $0x1  }
0xa3: {  	[sflag:s23] =	ssyncset.done $0x0  }
0xa4: {  	s25 =	simm.s32 $0x1B8E;
	s24 =	sld [smem:$0x3FFE];
	[sflag:s23] =	ssyncadd.s32 $0xFFFFFFFF  }
0xa5: {  	s26 =	simm.s32 $execute0_lowered;
	[smem:$0x3FD2] =	sst s25  }
0xa6: {  	s4 =	sshll.u32 s26, $0x1;
	_ =	strace $0x80000046;
	[dreg:$0x1] =	wrdreg $0xFFFFFFFF  }
0xa7: {  	s28 =	simm.s32 $_size_execute0_lowered;
	s2 =	sadd.s32 s2, s4;
	[dreg:$0x0] =	wrdreg $0x0  }
0xa8: {  	s4 =	sshll.u32 s28, $0x1;
	[dreg:$0x2] =	wrdreg s2  }
0xa9: {  	[dreg:$0x3] =	wrdreg s4  }
0xaa: {  	[dreg:$0x4] =	wrdreg $0xC0  }
0xab: {  	_ =	task [dreg:s6], $0x5FFFF  }
0xac: {  	[dreg:$0x1] =	wrdreg $0xFFFFFFFF  }
0xad: {  	[dreg:$0x0] =	wrdreg $0x60  }
0xae: {  	[dreg:$0x2] =	wrdreg s24  }
0xaf: {  	[dreg:$0x3] =	wrdreg $0x34000  }
0xb0: {  	[dreg:$0x4] =	wrdreg $0x9  }
0xb1: {  	_ =	task.clear_ibuf [dreg:s6], $0x5FFFF;
	_ =	strace $0x90000046  }
0xb2: {  	s29 =	simm.s32 $0x9;
	_ =	strace $0x80000048  }
0xb3: {  	_ =	swait.ge [sflag:s29], $0x1  }
0xb4: {  	[sflag:s29] =	ssyncadd.s32 $0xFFFFFFFF  }
0xb5: {  	_ =	strace $0x90000048  }
0xb6: {  	_ =	sfence  }
0xb7: {  	s30 =	sld [smem:$0x0];
	_ =	sdelay $0x2  }
0xb8: {  	s31 =	sshll.u32 s1, $0xD;
	s1 =	sshrl.u32 s1, $0x2  }
0xb9: {  	s3 =	sand.u32 $0x4000, s31;
	s1 =	sadd.s32 s1, s30  }
0xba: {  	s0 =	sor.u32 s3, s0;
	s1 =	sshll.u32 s1, $0x11  }
0xbb: {  	s0 =	sor.u32 s1, s0  }
0xbc: {  	s0 =	sadd.s32 $0x8F2B, s0  }
0xbd: {  	[sflag:s0] =	ssyncadd.remote.s32 $0x1  }
0xbe: {  	_ =	sfence.sel $0xFFFF  }
0xbf: {  	[dreg:$0x0] =	wrdreg $0xFFFFFFFF;
	(pc) =	sbr.abs _section_cstart, $3  }
0xc0: {  	[dreg:$0x1] =	wrdreg $0xFFFFFFFF  }
0xc1: {  	_ =	task.clear_ibuf [dreg:s6], $0x2FFFF;
	_ =	strace $0x9FFFFFFF  }
0xc2: {  	(tm) =	ssettm $0x7FFFFFFF  }
0xc3: {  	_ =	shalt  }
tec
execute0_lowered:
.L_overlay_start_1:
0x0: {  	(tag) =	ssettag $0x1  }
0x1: {  	s4 =	rddreg [dreg:$0x0]  }
0x2: {  	s2 =	rddreg [dreg:$0x1]  }
0x3: {  	s1 =	srdreg.scid;
	s0 =	rddreg [dreg:$0x2]  }
0x4: {  	s3 =	simm.s32 $0x0;
	s17 =	simm.s32 $0x3000;
	s18 =	simm.s32 $0x2  }
0x5: {  	s19 =	simm.s32 $0x80;
	s20 =	simm.s32 $0x2800;
	s5 =	sand.u32 $0x1, s1  }
0x6: {  	s21 =	simm.s32 $0x1;
	s1 =	stileid.u32;
	s7 =	smul.u32 $0x28000, s5  }
0x7: {  	[smem:$0x7FF] =	sst s3;
	s6 =	sshll.u32 s5, $0x4;
	s8 =	smul.u32 $0x2800, s1  }
0x8: {  	s9 =	smul.u32 $0xA000, s1;
	s5 =	ssub.s32 $0x2, s5;
	s6 =	sor.u32 s1, s6  }
0x9: {  	_ =	strace $0x80000047;
	s31 =	sshrl.u32 s5, $0x1;
	s6 =	smul.u32 $0x500, s6  }
0xa: {  	s7 =	sadd.s32 s8, s7;
	s9 =	sshrl.u32 s9, $0x2;
	s22 =	sadd.s32 s8, s2  }
0xb: {  	s10 =	ssub.s32 s5, s31;
	s7 =	sshrl.u32 s7, $0x3;
	s22 =	sshrl.u32 s22, $0x3  }
0xc: {  	s6 =	sadd.s32 s6, s4;
	s7 =	sadd.s32 s7, s4;
	s4 =	sadd.s32 s9, s2  }
0xd: {  	s5 =	sadd.s32 $0x1E00, s6;
	s6 =	sadd.s32 $0xBE00, s7;
	s7 =	smax.u32 s10, $0x1  }
0xe: {  	s8 =	sadd.s32 $0x400, s4;
	s9 =	sadd.s32 $0x800, s4;
	s10 =	sadd.s32 $0xC00, s4  }
0xf: {  	s11 =	sadd.s32 $0x1000, s4;
	s12 =	sadd.s32 $0x1400, s4;
	s13 =	sadd.s32 $0x1800, s4  }
0x10: {  	v0 =	vimm.f32 $0.0e+00;
	v1 =	vimm.f32 $1.000000000e+00;
	s14 =	sadd.s32 $0x1C00, s4;
	s15 =	sadd.s32 $0x2000, s4;
	s16 =	sadd.s32 $0x2400, s4  }
.LBB2_1:
0x11: {  	s23 =	simm.s32 $0x40;
	s24 =	simm.s32 $0x0  }
.LBB2_2:
0x12: {  	p0 =	sne.s32 s23, $0xFC0;
	[tilespmem:s24+$0x3000] =	vst v0;
	s24 =	smov.u32 s23;
	s23 =	sadd.s32 $0x40, s23  }
.Ltmp0:
0x13: {  	(pc) =	sbr.rel @p0 .LBB2_2-.Ltmp0, $2  }
0x14: {  	_ =	sdelay $0x2  }
0x15: {  	s24 =	sshra.s32 s24, $0x2  }
0x16: {  	[tilespmem:s24+$0x3000] =	vst v0  }
0x17: {  	[spmem:s4] =	stream.linear.scatter [tilespmem:s17], [sflag:$0x2], $0x400, $0x38;
	[tilespmem:$0x5C00] =	vst v63  }
0x18: {  	_ =	swait.ge [sflag:s18], $0x400  }
0x19: {  	[sflag:s18] =	ssyncset.done $0x0  }
0x1a: {  	[sflag:s18] =	ssyncadd.s32 $0xFFFFFC00  }
0x1b: {  	[spmem:s8] =	stream.linear.scatter [tilespmem:s17], [sflag:$0x2], $0x400, $0x38;
	[tilespmem:$0x5C00] =	vst v63  }
0x1c: {  	_ =	swait.ge [sflag:s18], $0x400  }
0x1d: {  	[sflag:s18] =	ssyncset.done $0x0  }
0x1e: {  	[sflag:s18] =	ssyncadd.s32 $0xFFFFFC00  }
0x1f: {  	[spmem:s9] =	stream.linear.scatter [tilespmem:s17], [sflag:$0x2], $0x400, $0x38;
	[tilespmem:$0x5C00] =	vst v63  }
0x20: {  	_ =	swait.ge [sflag:s18], $0x400  }
0x21: {  	[sflag:s18] =	ssyncset.done $0x0  }
0x22: {  	[sflag:s18] =	ssyncadd.s32 $0xFFFFFC00  }
0x23: {  	[spmem:s10] =	stream.linear.scatter [tilespmem:s17], [sflag:$0x2], $0x400, $0x38;
	[tilespmem:$0x5C00] =	vst v63  }
0x24: {  	_ =	swait.ge [sflag:s18], $0x400  }
0x25: {  	[sflag:s18] =	ssyncset.done $0x0  }
0x26: {  	[sflag:s18] =	ssyncadd.s32 $0xFFFFFC00  }
0x27: {  	[spmem:s11] =	stream.linear.scatter [tilespmem:s17], [sflag:$0x2], $0x400, $0x38;
	[tilespmem:$0x5C00] =	vst v63  }
0x28: {  	_ =	swait.ge [sflag:s18], $0x400  }
0x29: {  	[sflag:s18] =	ssyncset.done $0x0  }
0x2a: {  	[sflag:s18] =	ssyncadd.s32 $0xFFFFFC00  }
0x2b: {  	[spmem:s12] =	stream.linear.scatter [tilespmem:s17], [sflag:$0x2], $0x400, $0x38;
	[tilespmem:$0x5C00] =	vst v63  }
0x2c: {  	_ =	swait.ge [sflag:s18], $0x400  }
0x2d: {  	[sflag:s18] =	ssyncset.done $0x0  }
0x2e: {  	[sflag:s18] =	ssyncadd.s32 $0xFFFFFC00  }
0x2f: {  	[spmem:s13] =	stream.linear.scatter [tilespmem:s17], [sflag:$0x2], $0x400, $0x38;
	[tilespmem:$0x5C00] =	vst v63  }
0x30: {  	_ =	swait.ge [sflag:s18], $0x400  }
0x31: {  	[sflag:s18] =	ssyncset.done $0x0  }
0x32: {  	[sflag:s18] =	ssyncadd.s32 $0xFFFFFC00  }
0x33: {  	[spmem:s14] =	stream.linear.scatter [tilespmem:s17], [sflag:$0x2], $0x400, $0x38;
	[tilespmem:$0x5C00] =	vst v63  }
0x34: {  	_ =	swait.ge [sflag:s18], $0x400  }
0x35: {  	[sflag:s18] =	ssyncset.done $0x0  }
0x36: {  	[sflag:s18] =	ssyncadd.s32 $0xFFFFFC00  }
0x37: {  	[spmem:s15] =	stream.linear.scatter [tilespmem:s17], [sflag:$0x2], $0x400, $0x38;
	[tilespmem:$0x5C00] =	vst v63  }
0x38: {  	_ =	swait.ge [sflag:s18], $0x400  }
0x39: {  	[sflag:s18] =	ssyncset.done $0x0  }
0x3a: {  	[sflag:s18] =	ssyncadd.s32 $0xFFFFFC00  }
0x3b: {  	[spmem:s16] =	stream.linear.scatter [tilespmem:s17], [sflag:$0x2], $0x400, $0x38;
	[tilespmem:$0x5C00] =	vst v63  }
0x3c: {  	_ =	swait.ge [sflag:s18], $0x400  }
0x3d: {  	[sflag:s18] =	ssyncset.done $0x0  }
0x3e: {  	s23 =	simm.s32 $0x40;
	s24 =	simm.s32 $0x0;
	[sflag:s18] =	ssyncadd.s32 $0xFFFFFC00  }
.LBB2_4:
0x3f: {  	p0 =	sne.s32 s23, $0x1FC0;
	[tilespmem:s24+$0x2800] =	vst v1;
	s24 =	smov.u32 s23;
	s23 =	sadd.s32 $0x40, s23  }
.Ltmp1:
0x40: {  	(pc) =	sbr.rel @p0 .LBB2_4-.Ltmp1, $2  }
0x41: {  	_ =	sdelay $0x2  }
0x42: {  	s24 =	sshra.s32 s24, $0x2  }
0x43: {  	[tilespmem:s24+$0x2800] =	vst v1  }
0x44: {  	s23 =	simm.s32 $0x0;
	[bflag:$0x0] =	sbarrier.arrive $0xFFFF  }
0x45: {  	[tilespmem:s23], [sflag:$0x2] =	stream.linear.gather [hbm4b:s5+s23], $0x2800, $0x38;
	[tilespmem:$0x5C00] =	vst v63  }
0x46: {  	_ =	swait.ge [sflag:s18], $0x2800  }
0x47: {  	[sflag:s18] =	ssyncset.done $0x0  }
0x48: {  	[sflag:s18] =	ssyncadd.s32 $0xFFFFD800  }
.LBB2_6:
0x49: {  	p0 =	sne.s32 s23, $0x9E00  }
.Ltmp2:
0x4a: {  	_ = 	snop;
	(pc) =	sbr.rel @p0 .LBB2_6-.Ltmp2, $3  }
0x4b: {  	_ =	sdelay $0x1  }
0x4c: {  	s24 =	sshra.s32 s23, $0x2;
	s23 =	sadd.s32 $0x200, s23  }
0x4d: {  	[spmem:s2] =	stream.indirect.scatter.add.f32 [tilespmem:s20], [sflag:$0x1], $0x10, s24, s19, $0xb8;
	[tilespmem:$0x5C00] =	vst v63  }
0x4e: {  	_ =	swait.ge [sflag:s21], $0x800  }
0x4f: {  	s23 =	simm.s32 $0x4F;
	[sflag:s21] =	ssyncset.done $0x0  }
.LBB2_8:
0x50: {  	p0 =	sne.s32 s23, $0x1;
	s23 =	sadd.s32 $0xFFFFFFFF, s23;
	[sflag:s21] =	ssyncadd.s32 $0xFFFFF800  }
.Ltmp3:
0x51: {  	(pc) =	sbr.rel @p0 .LBB2_8-.Ltmp3, $3  }
0x52: {  	_ =	sdelay $0x1  }
0x53: {  	_ =	swait.ge [sflag:s21], $0x800  }
0x54: {  	[sflag:s21] =	ssyncset.done $0x0  }
0x55: {  	s3 =	sadd.s32 $0x1, s3  }
0x56: {  	[sflag:s21] =	ssyncadd.s32 $0xFFFFF800;
	s23 =	sshll.u32 s1, $0x6;
	p0 =	sne.s32 s3, s7  }
.Ltmp4:
0x57: {  	[bflag:$0x0] =	sbarrier.arrive $0xFFFF;
	s23 =	sor.u32 $0x1C02, s23;
	(pc) =	sbr.rel @p0 .LBB2_1-.Ltmp4, $4  }
0x58: {  	[hbm:s6], [sflag:s23] =	dma.local [spmem:s22], $0x500  }
0x59: {  	_ =	swait.ge [sflag:s18], $0x500  }
0x5a: {  	[sflag:s18] =	ssyncset.done $0x0  }
0x5b: {  	[sflag:s18] =	ssyncadd.s32 $0xFFFFFB00  }
0x5c: {  	_ =	sfence.sel $0x180000  }
0x5d: {  	[bflag:$0x0] =	sbarrier.arrive $0xFFFF  }
0x5e: {  	p0 =	sne.s32 s1, $0x0;
	_ =	strace $0x90000047  }
0x5f: {  	s0 =	sadd.s32 @!p0 $0x100000, s0;
	[bflag:$0x2] =	sbarrier.arrive $0xFFFF  }
0x60: {  	[sflag:s0] =	ssyncadd.tile.s32 @!p0 $0x1;
	_ =	shalt  }
.Lfunc_end2:
_tile_overlayer_lowered:
.L_overlay_start_2:
0x61: {  	(tag) =	ssettag $0x2  }
0x62: {  	s0 =	rddreg [dreg:$0x0];
	s2 =	stileid.u32  }
0x63: {  	s1 =	rddreg [dreg:$0x1];
	p0 =	sne.s32 s2, $0x0  }
0x64: {  	s3 =	rddreg [dreg:$0x2];
	[bflag:$0x3] =	sbarrier.arrive $0xFFFF;
	s2 =	simm.s32 @!p0 $0x1C02  }
0x65: {  	[timem:s3], [sflag:s2] =	dma.local @!p0 [hbm:s0], s1  }
0x66: {  	s0 =	simm.s32 @!p0 $0x2  }
0x67: {  	_ =	swait.ge @!p0 [sflag:s0], s1  }
0x68: {  	s1 =	ssub.s32 @!p0 $0x0, s1;
	[sflag:s0] =	ssyncset.done @!p0 $0x0  }
0x69: {  	[sflag:s0] =	ssyncadd.s32 @!p0 s1  }
0x6a: {  	[bflag:$0x3] =	sbarrier.arrive $0xFFFF  }
0x6b: {  	_ =	shalt  }

</sc_bundles>
